<compile_context>
chip_gen: v7x
topology: tpu7x:2x2x1
jax: 0.10.2.dev20260603
libtpu: 0.0.44.dev20260713+nightly
codegen_flags: <defaults>
</compile_context>

<pallas_src>
import jax
import jax.numpy as jnp
from jax import lax
from jax.experimental import pallas as pl
from jax.experimental.pallas import tpu as pltpu
from jax.experimental.pallas import tpu_sc as plsc

_B = 320000
_D = 128
_V = 10000
_NC = 2
_NS = 16
_NW = _NC * _NS

_KW = 9984
_C = 128
_PH = 3
_PHE = _KW // _PH
_CPP = _PHE // _C
_PPP = _CPP // 2

_XBASE = _NW * _KW
_XTOT = _B - _XBASE

_VPT = 624
_VREM = _V - _NS * _VPT

_L = 16


def _gather_body(ei_hbm, x_hbm, out_hbm, xs, ib, idx1, r0, r1,
                 g0, g1, s0, s1, isem):
    cid = lax.axis_index("c")
    sid = lax.axis_index("s")
    wid = sid * _NC + cid
    base = wid * _KW

    def slab_start(p):
        src = ei_hbm.at[pl.ds(0, 2), pl.ds(base + p * _PHE, _PHE)]
        pltpu.async_copy(src, ib, isem)

    def slab_wait(p):
        src = ei_hbm.at[pl.ds(0, 2), pl.ds(base + p * _PHE, _PHE)]
        pltpu.make_async_copy(src, ib, isem).wait()

    def extract(p):
        zb = p * _PHE

        def cp(k, carry):
            for u in range(8):
                off = k * (8 * _L) + u * _L
                idx1[pl.ds(zb + off, _L)] = ib[0, pl.ds(off, _L)]
            return carry

        lax.fori_loop(0, _PHE // (8 * _L), cp, 0)

    slab_start(0)

    pltpu.sync_copy(x_hbm.at[pl.ds(sid * _VPT, _VPT)],
                    xs.at[pl.ds(sid * _VPT, _VPT)])
    @pl.when(sid == 0)
    def _():
        pltpu.sync_copy(x_hbm.at[pl.ds(_NS * _VPT, _VREM)],
                        xs.at[pl.ds(_NS * _VPT, _VREM)])
    slab_wait(0)
    extract(0)
    @pl.when(wid < 4)
    def _():
        xsrc = ei_hbm.at[pl.ds(0, 2), pl.ds(_XBASE, _XTOT)]
        xdst = ib.at[pl.ds(0, 2), pl.ds(0, _XTOT)]
        pltpu.async_copy(xsrc, xdst, isem)
        pltpu.make_async_copy(xsrc, xdst, isem).wait()

        def cpx(k, carry):
            idx1[pl.ds(_KW + k * _L, _L)] = ib[0, pl.ds(k * _L, _L)]
            return carry

        lax.fori_loop(0, _XTOT // _L, cpx, 0)
    plsc.subcore_barrier()
    slab_start(1)

    def gather_start(rv, sem, j):
        pltpu.async_copy(xs.at[idx1.at[pl.ds(j * _C, _C)]], rv, sem)

    def gather_wait(rv, sem, j):
        pltpu.make_async_copy(xs.at[idx1.at[pl.ds(j * _C, _C)]], rv,
                              sem).wait()

    def store_start(rv, sem, j):
        pltpu.async_copy(rv, out_hbm.at[pl.ds(base + j * _C, _C)], sem)

    def store_wait(rv, sem, j):
        pltpu.make_async_copy(rv, out_hbm.at[pl.ds(base + j * _C, _C)],
                              sem).wait()

    gather_start(r0, g0, 0)
    for p in range(_PH):

        def pair(g, carry, _p=p):
            j0 = _p * _CPP + 2 * g
            gather_wait(r0, g0, j0)
            store_start(r0, s0, j0)
            @pl.when(g > 0)
            def _():
                store_wait(r1, s1, j0 - 1)
            gather_start(r1, g1, j0 + 1)
            gather_wait(r1, g1, j0 + 1)
            store_start(r1, s1, j0 + 1)
            store_wait(r0, s0, j0)
            @pl.when(g < _PPP - 1)
            def _():
                gather_start(r0, g0, j0 + 2)
            return carry

        lax.fori_loop(0, _PPP, pair, 0)
        if p + 1 < _PH:
            slab_wait(p + 1)
            extract(p + 1)
            if p + 2 < _PH:
                slab_start(p + 2)
            gather_start(r0, g0, (p + 1) * _CPP)
            store_wait(r1, s1, (p + 1) * _CPP - 1)
    store_wait(r1, s1, _PH * _CPP - 1)

    @pl.when(wid < 4)
    def _():
        pltpu.async_copy(
            xs.at[idx1.at[pl.ds(_KW + wid * _C, _C)]], r0, g0).wait()
        pltpu.sync_copy(r0, out_hbm.at[pl.ds(_XBASE + wid * _C, _C)])


@jax.jit
def _gather(ei, x):
    mesh = plsc.VectorSubcoreMesh(core_axis_name="c", subcore_axis_name="s")
    run = pl.kernel(
        _gather_body,
        mesh=mesh,
        out_type=jax.ShapeDtypeStruct((_B, _D), jnp.float32),
        scratch_types=[
            pltpu.VMEM_SHARED((_V, _D), jnp.float32),
            pltpu.VMEM((2, _PHE), jnp.int32),
            pltpu.VMEM((_KW + _XTOT,), jnp.int32),
            pltpu.VMEM((_C, _D), jnp.float32),
            pltpu.VMEM((_C, _D), jnp.float32),
            pltpu.SemaphoreType.DMA,
            pltpu.SemaphoreType.DMA,
            pltpu.SemaphoreType.DMA,
            pltpu.SemaphoreType.DMA,
            pltpu.SemaphoreType.DMA,
        ],
    )
    return run(ei, x)


def kernel(x, edge_index):
    ei = edge_index if edge_index.dtype == jnp.int32 else (
        edge_index.astype(jnp.int32))
    messages = _gather(ei, x)
    return (x, edge_index, messages)

# --- scband reference (transcript-rebuilt; emitter-appended) ---
"""Pipeline reference for scband-message-generation-25563645346361 (READ-ONLY COPY).

The authoritative reference and input builder live on the scoring server;
editing this copy changes nothing except your own understanding.
"""

import jax, jax.numpy as jnp
import numpy as np


def setup_inputs(seed: int = 0) -> dict:
    key = jax.random.key(seed)
    k1, k2 = jax.random.split(key)
    x = jax.random.normal(k1, (10000, 128), dtype=jnp.float32)
    edge_index = jax.random.randint(k2, (2, 320000), 0, 10000, dtype=jnp.int64)
    return {"x": x, "edge_index": edge_index}


def reference(x, edge_index):
    # source_nodes = edge_index[0]; x_j = x[source_nodes]; messages = identity(x_j)
    source_nodes = edge_index[0]
    x_j = jnp.take(x, source_nodes, axis=0)
    messages = x_j  # identity message function
    return (x, edge_index, messages)

if __name__ == "__main__":
    import jax
    _d = setup_inputs()
    print(jax.jit(kernel)(*tuple(_d.values())))

</pallas_src>

<mosaic_0001>
#map = affine_map<(d0, d1) -> (0, 0)>
module attributes {stable_mosaic.version = 14 : i64} {
  func.func @_gather_body(%arg0: i32, %arg1: i32, %arg2: memref<2x320000xi32, #tpu.memory_space<hbm>>, %arg3: memref<10000x128xf32, #tpu.memory_space<hbm>>, %arg4: memref<320000x128xf32, #tpu.memory_space<hbm>>, %arg5: memref<10000x128xf32, #tpu.memory_space<vmem_shared>>, %arg6: memref<2x3328xi32, #tpu.memory_space<vmem>>, %arg7: memref<10496xi32, #tpu.memory_space<vmem>>, %arg8: memref<128x128xf32, #tpu.memory_space<vmem>>, %arg9: memref<128x128xf32, #tpu.memory_space<vmem>>, %arg10: memref<!tpu.dma_semaphore, #tpu.memory_space<semaphore_mem>>, %arg11: memref<!tpu.dma_semaphore, #tpu.memory_space<semaphore_mem>>, %arg12: memref<!tpu.dma_semaphore, #tpu.memory_space<semaphore_mem>>, %arg13: memref<!tpu.dma_semaphore, #tpu.memory_space<semaphore_mem>>, %arg14: memref<!tpu.dma_semaphore, #tpu.memory_space<semaphore_mem>>) attributes {dimension_semantics = [#tpu.dimension_semantics<core_parallel>, #tpu.dimension_semantics<subcore_parallel>], iteration_bounds = array<i64: 2, 16>, scalar_prefetch = 0 : i64, scratch_operands = 10 : i64, tpu.core_type = #tpu.core_type<sc_vector_subcore>, window_params = [{transform_indices = #map}, {transform_indices = #map}, {transform_indices = #map}]} {
    %mul3A = arith.constant 2 : i32
    %mul3A_0 = arith.muli %arg1, %mul3A : i32
    %add3A = arith.addi %mul3A_0, %arg0 : i32
    %mul3A_1 = arith.constant 9984 : i32
    %mul3A_2 = arith.muli %add3A, %mul3A_1 : i32
    %add3A_3 = arith.constant 0 : i32
    %add3A_4 = arith.addi %mul3A_2, %add3A_3 : i32
    %dma_start3A = arith.constant 0 : i32
    %dma_start3A_5 = tpu.memref_slice %arg2[%dma_start3A, %add3A_4] : memref<2x320000xi32, #tpu.memory_space<hbm>> -> memref<2x3328xi32, #tpu.memory_space<hbm>>
    %dma_start3A_6 = arith.constant 0 : i32
    %dma_start3A_7 = tpu.memref_slice %arg2[%dma_start3A_6, %add3A_4] : memref<2x320000xi32, #tpu.memory_space<hbm>> -> memref<2x3328xi32, #tpu.memory_space<hbm>>
    tpu.enqueue_dma source(%dma_start3A_7 : memref<2x3328xi32, #tpu.memory_space<hbm>>) target(%arg6 : memref<2x3328xi32, #tpu.memory_space<vmem>>) target_semaphore(%arg14 : memref<!tpu.dma_semaphore, #tpu.memory_space<semaphore_mem>>)
    %mul3A_8 = arith.constant 624 : i32
    %mul3A_9 = arith.muli %arg1, %mul3A_8 : i32
    %mul3A_10 = arith.constant 624 : i32
    %mul3A_11 = arith.muli %arg1, %mul3A_10 : i32
    "tpu.region"() ({
      %run_scoped3A = tpu.sem_alloc : memref<!tpu.dma_semaphore, #tpu.memory_space<semaphore_mem>>
      %dma_start3A_120 = arith.constant 0 : i32
      %dma_start3A_121 = tpu.memref_slice %arg5[%mul3A_11, %dma_start3A_120] : memref<10000x128xf32, #tpu.memory_space<vmem_shared>> -> memref<624x128xf32, #tpu.memory_space<vmem_shared>>
      %dma_start3A_122 = arith.constant 0 : i32
      %dma_start3A_123 = tpu.memref_slice %arg3[%mul3A_9, %dma_start3A_122] : memref<10000x128xf32, #tpu.memory_space<hbm>> -> memref<624x128xf32, #tpu.memory_space<hbm>>
      tpu.enqueue_dma source(%dma_start3A_123 : memref<624x128xf32, #tpu.memory_space<hbm>>) target(%dma_start3A_121 : memref<624x128xf32, #tpu.memory_space<vmem_shared>>) target_semaphore(%run_scoped3A : memref<!tpu.dma_semaphore, #tpu.memory_space<semaphore_mem>>)
      %dma_wait3A_124 = arith.constant 0 : i32
      %dma_wait3A_125 = tpu.memref_slice %arg5[%mul3A_11, %dma_wait3A_124] : memref<10000x128xf32, #tpu.memory_space<vmem_shared>> -> memref<624x128xf32, #tpu.memory_space<vmem_shared>>
      %dma_wait3A_126 = arith.constant 0 : i32
      %dma_wait3A_127 = tpu.memref_slice %arg3[%mul3A_9, %dma_wait3A_126] : memref<10000x128xf32, #tpu.memory_space<hbm>> -> memref<624x128xf32, #tpu.memory_space<hbm>>
      tpu.wait_dma2 semaphore(%run_scoped3A : memref<!tpu.dma_semaphore, #tpu.memory_space<semaphore_mem>>) src(%dma_wait3A_127 : memref<624x128xf32, #tpu.memory_space<hbm>>) dst(%dma_wait3A_125 : memref<624x128xf32, #tpu.memory_space<vmem_shared>>)
      tpu.yield
    }) : () -> ()
    %eq3A = arith.constant 0 : i32
    %eq3A_12 = arith.cmpi eq, %arg1, %eq3A : i32
    %convert_element_type3A = arith.extui %eq3A_12 : i1 to i32
    %cond3A = arith.constant 0 : i32
    %cond3A_13 = arith.cmpi ne, %convert_element_type3A, %cond3A : i32
    scf.if %cond3A_13 {
      "tpu.region"() ({
        %run_scoped3A = tpu.sem_alloc : memref<!tpu.dma_semaphore, #tpu.memory_space<semaphore_mem>>
        %dma_start3A_120 = arith.constant 9984 : i32
        %dma_start3A_121 = arith.constant 0 : i32
        %dma_start3A_122 = tpu.memref_slice %arg5[%dma_start3A_120, %dma_start3A_121] : memref<10000x128xf32, #tpu.memory_space<vmem_shared>> -> memref<16x128xf32, #tpu.memory_space<vmem_shared>>
        %dma_start3A_123 = arith.constant 9984 : i32
        %dma_start3A_124 = arith.constant 0 : i32
        %dma_start3A_125 = tpu.memref_slice %arg3[%dma_start3A_123, %dma_start3A_124] : memref<10000x128xf32, #tpu.memory_space<hbm>> -> memref<16x128xf32, #tpu.memory_space<hbm>>
        tpu.enqueue_dma source(%dma_start3A_125 : memref<16x128xf32, #tpu.memory_space<hbm>>) target(%dma_start3A_122 : memref<16x128xf32, #tpu.memory_space<vmem_shared>>) target_semaphore(%run_scoped3A : memref<!tpu.dma_semaphore, #tpu.memory_space<semaphore_mem>>)
        %dma_wait3A_126 = arith.constant 9984 : i32
        %dma_wait3A_127 = arith.constant 0 : i32
        %dma_wait3A_128 = tpu.memref_slice %arg5[%dma_wait3A_126, %dma_wait3A_127] : memref<10000x128xf32, #tpu.memory_space<vmem_shared>> -> memref<16x128xf32, #tpu.memory_space<vmem_shared>>
        %dma_wait3A_129 = arith.constant 9984 : i32
        %dma_wait3A_130 = arith.constant 0 : i32
        %dma_wait3A_131 = tpu.memref_slice %arg3[%dma_wait3A_129, %dma_wait3A_130] : memref<10000x128xf32, #tpu.memory_space<hbm>> -> memref<16x128xf32, #tpu.memory_space<hbm>>
        tpu.wait_dma2 semaphore(%run_scoped3A : memref<!tpu.dma_semaphore, #tpu.memory_space<semaphore_mem>>) src(%dma_wait3A_131 : memref<16x128xf32, #tpu.memory_space<hbm>>) dst(%dma_wait3A_128 : memref<16x128xf32, #tpu.memory_space<vmem_shared>>)
        tpu.yield
      }) : () -> ()
    } else {
    }
    %add3A_14 = arith.constant 0 : i32
    %add3A_15 = arith.addi %mul3A_2, %add3A_14 : i32
    %dma_wait3A = arith.constant 0 : i32
    %dma_wait3A_16 = tpu.memref_slice %arg2[%dma_wait3A, %add3A_15] : memref<2x320000xi32, #tpu.memory_space<hbm>> -> memref<2x3328xi32, #tpu.memory_space<hbm>>
    %dma_wait3A_17 = arith.constant 0 : i32
    %dma_wait3A_18 = tpu.memref_slice %arg2[%dma_wait3A_17, %add3A_15] : memref<2x320000xi32, #tpu.memory_space<hbm>> -> memref<2x3328xi32, #tpu.memory_space<hbm>>
    tpu.wait_dma2 semaphore(%arg14 : memref<!tpu.dma_semaphore, #tpu.memory_space<semaphore_mem>>) src(%dma_wait3A_18 : memref<2x3328xi32, #tpu.memory_space<hbm>>) dst(%arg6 : memref<2x3328xi32, #tpu.memory_space<vmem>>)
    %scan3A = arith.constant 0 : i32
    %scan3A_19 = arith.constant 0 : i32
    %scan3A_20 = arith.constant 26 : i32
    %scan3A_21 = arith.addi %scan3A_19, %scan3A_20 : i32
    %scan3A_22 = arith.constant 1 : i32
    scf.for %scan3A_120 = %scan3A_19 to %scan3A_21 step %scan3A_22  : i32 {
      %mul3A_121 = arith.constant 128 : i32
      %mul3A_122 = arith.muli %scan3A_120, %mul3A_121 : i32
      %add3A_123 = arith.constant 0 : i32
      %add3A_124 = arith.addi %mul3A_122, %add3A_123 : i32
      %get3A = arith.constant 0 : i32
      %get3A_125 = arith.index_cast %get3A : i32 to index
      %get3A_126 = arith.index_cast %add3A_124 : i32 to index
      %get3A_127 = tpu.vector_load %arg6[%get3A_125, %get3A_126] {strides = array<i32>} : memref<2x3328xi32, #tpu.memory_space<vmem>>, vector<1x16xi32>,
      %get3A_128 = vector.shape_cast %get3A_127 : vector<1x16xi32> to vector<16xi32>
      %add3A_129 = arith.constant 0 : i32
      %add3A_130 = arith.addi %add3A_129, %add3A_124 : i32
      %swap3A = arith.index_cast %add3A_130 : i32 to index
      %swap3A_131 = tpu.vector_load %arg7[%swap3A] {strides = array<i32>} : memref<10496xi32, #tpu.memory_space<vmem>>, vector<16xi32>,
      %swap3A_132 = vector.shape_cast %swap3A_131 : vector<16xi32> to vector<16xi32>
      %swap3A_133 = vector.shape_cast %get3A_128 : vector<16xi32> to vector<16xi32>
      tpu.vector_store %arg7[%swap3A], %swap3A_133 {strides = array<i32>} : memref<10496xi32, #tpu.memory_space<vmem>>, vector<16xi32>,
      %mul3A_134 = arith.constant 128 : i32
      %mul3A_135 = arith.muli %scan3A_120, %mul3A_134 : i32
      %add3A_136 = arith.constant 16 : i32
      %add3A_137 = arith.addi %mul3A_135, %add3A_136 : i32
      %get3A_138 = arith.constant 0 : i32
      %get3A_139 = arith.index_cast %get3A_138 : i32 to index
      %get3A_140 = arith.index_cast %add3A_137 : i32 to index
      %get3A_141 = tpu.vector_load %arg6[%get3A_139, %get3A_140] {strides = array<i32>} : memref<2x3328xi32, #tpu.memory_space<vmem>>, vector<1x16xi32>,
      %get3A_142 = vector.shape_cast %get3A_141 : vector<1x16xi32> to vector<16xi32>
      %add3A_143 = arith.constant 0 : i32
      %add3A_144 = arith.addi %add3A_143, %add3A_137 : i32
      %swap3A_145 = arith.index_cast %add3A_144 : i32 to index
      %swap3A_146 = tpu.vector_load %arg7[%swap3A_145] {strides = array<i32>} : memref<10496xi32, #tpu.memory_space<vmem>>, vector<16xi32>,
      %swap3A_147 = vector.shape_cast %swap3A_146 : vector<16xi32> to vector<16xi32>
      %swap3A_148 = vector.shape_cast %get3A_142 : vector<16xi32> to vector<16xi32>
      tpu.vector_store %arg7[%swap3A_145], %swap3A_148 {strides = array<i32>} : memref<10496xi32, #tpu.memory_space<vmem>>, vector<16xi32>,
      %mul3A_149 = arith.constant 128 : i32
      %mul3A_150 = arith.muli %scan3A_120, %mul3A_149 : i32
      %add3A_151 = arith.constant 32 : i32
      %add3A_152 = arith.addi %mul3A_150, %add3A_151 : i32
      %get3A_153 = arith.constant 0 : i32
      %get3A_154 = arith.index_cast %get3A_153 : i32 to index
      %get3A_155 = arith.index_cast %add3A_152 : i32 to index
      %get3A_156 = tpu.vector_load %arg6[%get3A_154, %get3A_155] {strides = array<i32>} : memref<2x3328xi32, #tpu.memory_space<vmem>>, vector<1x16xi32>,
      %get3A_157 = vector.shape_cast %get3A_156 : vector<1x16xi32> to vector<16xi32>
      %add3A_158 = arith.constant 0 : i32
      %add3A_159 = arith.addi %add3A_158, %add3A_152 : i32
      %swap3A_160 = arith.index_cast %add3A_159 : i32 to index
      %swap3A_161 = tpu.vector_load %arg7[%swap3A_160] {strides = array<i32>} : memref<10496xi32, #tpu.memory_space<vmem>>, vector<16xi32>,
      %swap3A_162 = vector.shape_cast %swap3A_161 : vector<16xi32> to vector<16xi32>
      %swap3A_163 = vector.shape_cast %get3A_157 : vector<16xi32> to vector<16xi32>
      tpu.vector_store %arg7[%swap3A_160], %swap3A_163 {strides = array<i32>} : memref<10496xi32, #tpu.memory_space<vmem>>, vector<16xi32>,
      %mul3A_164 = arith.constant 128 : i32
      %mul3A_165 = arith.muli %scan3A_120, %mul3A_164 : i32
      %add3A_166 = arith.constant 48 : i32
      %add3A_167 = arith.addi %mul3A_165, %add3A_166 : i32
      %get3A_168 = arith.constant 0 : i32
      %get3A_169 = arith.index_cast %get3A_168 : i32 to index
      %get3A_170 = arith.index_cast %add3A_167 : i32 to index
      %get3A_171 = tpu.vector_load %arg6[%get3A_169, %get3A_170] {strides = array<i32>} : memref<2x3328xi32, #tpu.memory_space<vmem>>, vector<1x16xi32>,
      %get3A_172 = vector.shape_cast %get3A_171 : vector<1x16xi32> to vector<16xi32>
      %add3A_173 = arith.constant 0 : i32
      %add3A_174 = arith.addi %add3A_173, %add3A_167 : i32
      %swap3A_175 = arith.index_cast %add3A_174 : i32 to index
      %swap3A_176 = tpu.vector_load %arg7[%swap3A_175] {strides = array<i32>} : memref<10496xi32, #tpu.memory_space<vmem>>, vector<16xi32>,
      %swap3A_177 = vector.shape_cast %swap3A_176 : vector<16xi32> to vector<16xi32>
      %swap3A_178 = vector.shape_cast %get3A_172 : vector<16xi32> to vector<16xi32>
      tpu.vector_store %arg7[%swap3A_175], %swap3A_178 {strides = array<i32>} : memref<10496xi32, #tpu.memory_space<vmem>>, vector<16xi32>,
      %mul3A_179 = arith.constant 128 : i32
      %mul3A_180 = arith.muli %scan3A_120, %mul3A_179 : i32
      %add3A_181 = arith.constant 64 : i32
      %add3A_182 = arith.addi %mul3A_180, %add3A_181 : i32
      %get3A_183 = arith.constant 0 : i32
      %get3A_184 = arith.index_cast %get3A_183 : i32 to index
      %get3A_185 = arith.index_cast %add3A_182 : i32 to index
      %get3A_186 = tpu.vector_load %arg6[%get3A_184, %get3A_185] {strides = array<i32>} : memref<2x3328xi32, #tpu.memory_space<vmem>>, vector<1x16xi32>,
      %get3A_187 = vector.shape_cast %get3A_186 : vector<1x16xi32> to vector<16xi32>
      %add3A_188 = arith.constant 0 : i32
      %add3A_189 = arith.addi %add3A_188, %add3A_182 : i32
      %swap3A_190 = arith.index_cast %add3A_189 : i32 to index
      %swap3A_191 = tpu.vector_load %arg7[%swap3A_190] {strides = array<i32>} : memref<10496xi32, #tpu.memory_space<vmem>>, vector<16xi32>,
      %swap3A_192 = vector.shape_cast %swap3A_191 : vector<16xi32> to vector<16xi32>
      %swap3A_193 = vector.shape_cast %get3A_187 : vector<16xi32> to vector<16xi32>
      tpu.vector_store %arg7[%swap3A_190], %swap3A_193 {strides = array<i32>} : memref<10496xi32, #tpu.memory_space<vmem>>, vector<16xi32>,
      %mul3A_194 = arith.constant 128 : i32
      %mul3A_195 = arith.muli %scan3A_120, %mul3A_194 : i32
      %add3A_196 = arith.constant 80 : i32
      %add3A_197 = arith.addi %mul3A_195, %add3A_196 : i32
      %get3A_198 = arith.constant 0 : i32
      %get3A_199 = arith.index_cast %get3A_198 : i32 to index
      %get3A_200 = arith.index_cast %add3A_197 : i32 to index
      %get3A_201 = tpu.vector_load %arg6[%get3A_199, %get3A_200] {strides = array<i32>} : memref<2x3328xi32, #tpu.memory_space<vmem>>, vector<1x16xi32>,
      %get3A_202 = vector.shape_cast %get3A_201 : vector<1x16xi32> to vector<16xi32>
      %add3A_203 = arith.constant 0 : i32
      %add3A_204 = arith.addi %add3A_203, %add3A_197 : i32
      %swap3A_205 = arith.index_cast %add3A_204 : i32 to index
      %swap3A_206 = tpu.vector_load %arg7[%swap3A_205] {strides = array<i32>} : memref<10496xi32, #tpu.memory_space<vmem>>, vector<16xi32>,
      %swap3A_207 = vector.shape_cast %swap3A_206 : vector<16xi32> to vector<16xi32>
      %swap3A_208 = vector.shape_cast %get3A_202 : vector<16xi32> to vector<16xi32>
      tpu.vector_store %arg7[%swap3A_205], %swap3A_208 {strides = array<i32>} : memref<10496xi32, #tpu.memory_space<vmem>>, vector<16xi32>,
      %mul3A_209 = arith.constant 128 : i32
      %mul3A_210 = arith.muli %scan3A_120, %mul3A_209 : i32
      %add3A_211 = arith.constant 96 : i32
      %add3A_212 = arith.addi %mul3A_210, %add3A_211 : i32
      %get3A_213 = arith.constant 0 : i32
      %get3A_214 = arith.index_cast %get3A_213 : i32 to index
      %get3A_215 = arith.index_cast %add3A_212 : i32 to index
      %get3A_216 = tpu.vector_load %arg6[%get3A_214, %get3A_215] {strides = array<i32>} : memref<2x3328xi32, #tpu.memory_space<vmem>>, vector<1x16xi32>,
      %get3A_217 = vector.shape_cast %get3A_216 : vector<1x16xi32> to vector<16xi32>
      %add3A_218 = arith.constant 0 : i32
      %add3A_219 = arith.addi %add3A_218, %add3A_212 : i32
      %swap3A_220 = arith.index_cast %add3A_219 : i32 to index
      %swap3A_221 = tpu.vector_load %arg7[%swap3A_220] {strides = array<i32>} : memref<10496xi32, #tpu.memory_space<vmem>>, vector<16xi32>,
      %swap3A_222 = vector.shape_cast %swap3A_221 : vector<16xi32> to vector<16xi32>
      %swap3A_223 = vector.shape_cast %get3A_217 : vector<16xi32> to vector<16xi32>
      tpu.vector_store %arg7[%swap3A_220], %swap3A_223 {strides = array<i32>} : memref<10496xi32, #tpu.memory_space<vmem>>, vector<16xi32>,
      %mul3A_224 = arith.constant 128 : i32
      %mul3A_225 = arith.muli %scan3A_120, %mul3A_224 : i32
      %add3A_226 = arith.constant 112 : i32
      %add3A_227 = arith.addi %mul3A_225, %add3A_226 : i32
      %get3A_228 = arith.constant 0 : i32
      %get3A_229 = arith.index_cast %get3A_228 : i32 to index
      %get3A_230 = arith.index_cast %add3A_227 : i32 to index
      %get3A_231 = tpu.vector_load %arg6[%get3A_229, %get3A_230] {strides = array<i32>} : memref<2x3328xi32, #tpu.memory_space<vmem>>, vector<1x16xi32>,
      %get3A_232 = vector.shape_cast %get3A_231 : vector<1x16xi32> to vector<16xi32>
      %add3A_233 = arith.constant 0 : i32
      %add3A_234 = arith.addi %add3A_233, %add3A_227 : i32
      %swap3A_235 = arith.index_cast %add3A_234 : i32 to index
      %swap3A_236 = tpu.vector_load %arg7[%swap3A_235] {strides = array<i32>} : memref<10496xi32, #tpu.memory_space<vmem>>, vector<16xi32>,
      %swap3A_237 = vector.shape_cast %swap3A_236 : vector<16xi32> to vector<16xi32>
      %swap3A_238 = vector.shape_cast %get3A_232 : vector<16xi32> to vector<16xi32>
      tpu.vector_store %arg7[%swap3A_235], %swap3A_238 {strides = array<i32>} : memref<10496xi32, #tpu.memory_space<vmem>>, vector<16xi32>,
    }
    %scan3A_23 = arith.constant 26 : i32
    %lt3A = arith.constant 4 : i32
    %lt3A_24 = arith.cmpi slt, %add3A, %lt3A : i32
    %convert_element_type3A_25 = arith.extui %lt3A_24 : i1 to i32
    %cond3A_26 = arith.constant 0 : i32
    %cond3A_27 = arith.cmpi ne, %convert_element_type3A_25, %cond3A_26 : i32
    scf.if %cond3A_27 {
      %dma_start3A_120 = arith.constant 0 : i32
      %dma_start3A_121 = arith.constant 0 : i32
      %dma_start3A_122 = tpu.memref_slice %arg6[%dma_start3A_120, %dma_start3A_121] : memref<2x3328xi32, #tpu.memory_space<vmem>> -> memref<2x512xi32, #tpu.memory_space<vmem>>
      %dma_start3A_123 = arith.constant 0 : i32
      %dma_start3A_124 = arith.constant 319488 : i32
      %dma_start3A_125 = tpu.memref_slice %arg2[%dma_start3A_123, %dma_start3A_124] : memref<2x320000xi32, #tpu.memory_space<hbm>> -> memref<2x512xi32, #tpu.memory_space<hbm>>
      %dma_start3A_126 = arith.constant 0 : i32
      %dma_start3A_127 = arith.constant 0 : i32
      %dma_start3A_128 = tpu.memref_slice %arg6[%dma_start3A_126, %dma_start3A_127] : memref<2x3328xi32, #tpu.memory_space<vmem>> -> memref<2x512xi32, #tpu.memory_space<vmem>>
      %dma_start3A_129 = arith.constant 0 : i32
      %dma_start3A_130 = arith.constant 319488 : i32
      %dma_start3A_131 = tpu.memref_slice %arg2[%dma_start3A_129, %dma_start3A_130] : memref<2x320000xi32, #tpu.memory_space<hbm>> -> memref<2x512xi32, #tpu.memory_space<hbm>>
      tpu.enqueue_dma source(%dma_start3A_131 : memref<2x512xi32, #tpu.memory_space<hbm>>) target(%dma_start3A_128 : memref<2x512xi32, #tpu.memory_space<vmem>>) target_semaphore(%arg14 : memref<!tpu.dma_semaphore, #tpu.memory_space<semaphore_mem>>)
      %dma_wait3A_132 = arith.constant 0 : i32
      %dma_wait3A_133 = arith.constant 0 : i32
      %dma_wait3A_134 = tpu.memref_slice %arg6[%dma_wait3A_132, %dma_wait3A_133] : memref<2x3328xi32, #tpu.memory_space<vmem>> -> memref<2x512xi32, #tpu.memory_space<vmem>>
      %dma_wait3A_135 = arith.constant 0 : i32
      %dma_wait3A_136 = arith.constant 319488 : i32
      %dma_wait3A_137 = tpu.memref_slice %arg2[%dma_wait3A_135, %dma_wait3A_136] : memref<2x320000xi32, #tpu.memory_space<hbm>> -> memref<2x512xi32, #tpu.memory_space<hbm>>
      %dma_wait3A_138 = arith.constant 0 : i32
      %dma_wait3A_139 = arith.constant 0 : i32
      %dma_wait3A_140 = tpu.memref_slice %arg6[%dma_wait3A_138, %dma_wait3A_139] : memref<2x3328xi32, #tpu.memory_space<vmem>> -> memref<2x512xi32, #tpu.memory_space<vmem>>
      %dma_wait3A_141 = arith.constant 0 : i32
      %dma_wait3A_142 = arith.constant 319488 : i32
      %dma_wait3A_143 = tpu.memref_slice %arg2[%dma_wait3A_141, %dma_wait3A_142] : memref<2x320000xi32, #tpu.memory_space<hbm>> -> memref<2x512xi32, #tpu.memory_space<hbm>>
      tpu.wait_dma2 semaphore(%arg14 : memref<!tpu.dma_semaphore, #tpu.memory_space<semaphore_mem>>) src(%dma_wait3A_143 : memref<2x512xi32, #tpu.memory_space<hbm>>) dst(%dma_wait3A_140 : memref<2x512xi32, #tpu.memory_space<vmem>>)
      %scan3A_144 = arith.constant 0 : i32
      %scan3A_145 = arith.constant 0 : i32
      %scan3A_146 = arith.constant 32 : i32
      %scan3A_147 = arith.addi %scan3A_145, %scan3A_146 : i32
      %scan3A_148 = arith.constant 1 : i32
      scf.for %scan3A_150 = %scan3A_145 to %scan3A_147 step %scan3A_148  : i32 {
        %mul3A_151 = arith.constant 16 : i32
        %mul3A_152 = arith.muli %scan3A_150, %mul3A_151 : i32
        %get3A = arith.constant 0 : i32
        %get3A_153 = arith.index_cast %get3A : i32 to index
        %get3A_154 = arith.index_cast %mul3A_152 : i32 to index
        %get3A_155 = tpu.vector_load %arg6[%get3A_153, %get3A_154] {strides = array<i32>} : memref<2x3328xi32, #tpu.memory_space<vmem>>, vector<1x16xi32>,
        %get3A_156 = vector.shape_cast %get3A_155 : vector<1x16xi32> to vector<16xi32>
        %mul3A_157 = arith.constant 16 : i32
        %mul3A_158 = arith.muli %scan3A_150, %mul3A_157 : i32
        %add3A_159 = arith.constant 9984 : i32
        %add3A_160 = arith.addi %add3A_159, %mul3A_158 : i32
        %swap3A = arith.index_cast %add3A_160 : i32 to index
        %swap3A_161 = tpu.vector_load %arg7[%swap3A] {strides = array<i32>} : memref<10496xi32, #tpu.memory_space<vmem>>, vector<16xi32>,
        %swap3A_162 = vector.shape_cast %swap3A_161 : vector<16xi32> to vector<16xi32>
        %swap3A_163 = vector.shape_cast %get3A_156 : vector<16xi32> to vector<16xi32>
        tpu.vector_store %arg7[%swap3A], %swap3A_163 {strides = array<i32>} : memref<10496xi32, #tpu.memory_space<vmem>>, vector<16xi32>,
      }
      %scan3A_149 = arith.constant 32 : i32
    } else {
    }
    %barrier3A = arith.constant 0 : index
    tpu.barrier barrier_id(%barrier3A)
    %add3A_28 = arith.constant 3328 : i32
    %add3A_29 = arith.addi %mul3A_2, %add3A_28 : i32
    %dma_start3A_30 = arith.constant 0 : i32
    %dma_start3A_31 = tpu.memref_slice %arg2[%dma_start3A_30, %add3A_29] : memref<2x320000xi32, #tpu.memory_space<hbm>> -> memref<2x3328xi32, #tpu.memory_space<hbm>>
    %dma_start3A_32 = arith.constant 0 : i32
    %dma_start3A_33 = tpu.memref_slice %arg2[%dma_start3A_32, %add3A_29] : memref<2x320000xi32, #tpu.memory_space<hbm>> -> memref<2x3328xi32, #tpu.memory_space<hbm>>
    tpu.enqueue_dma source(%dma_start3A_33 : memref<2x3328xi32, #tpu.memory_space<hbm>>) target(%arg6 : memref<2x3328xi32, #tpu.memory_space<vmem>>) target_semaphore(%arg14 : memref<!tpu.dma_semaphore, #tpu.memory_space<semaphore_mem>>)
    %dma_start3A_34 = arith.constant 0 : i32
    %dma_start3A_35 = tpu.memref_slice %arg7[%dma_start3A_34] : memref<10496xi32, #tpu.memory_space<vmem>> -> memref<128xi32, #tpu.memory_space<vmem>>
    %dma_start3A_36 = arith.constant 0 : i32
    %dma_start3A_37 = arith.constant 0 : i32
    %dma_start3A_38 = tpu.memref_slice %arg5[%dma_start3A_36, %dma_start3A_37] : memref<10000x128xf32, #tpu.memory_space<vmem_shared>> -> memref<10000x128xf32, #tpu.memory_space<vmem_shared>>
    tpu.enqueue_indirect_dma source(%dma_start3A_38 : memref<10000x128xf32, #tpu.memory_space<vmem_shared>>) target(%arg8 : memref<128x128xf32, #tpu.memory_space<vmem>>) offsets(%dma_start3A_35 : memref<128xi32, #tpu.memory_space<vmem>>) semaphore(%arg10 : memref<!tpu.dma_semaphore, #tpu.memory_space<semaphore_mem>>)
    %scan3A_39 = arith.constant 0 : i32
    %scan3A_40 = arith.constant 0 : i32
    %scan3A_41 = arith.constant 13 : i32
    %scan3A_42 = arith.addi %scan3A_40, %scan3A_41 : i32
    %scan3A_43 = arith.constant 1 : i32
    scf.for %scan3A_120 = %scan3A_40 to %scan3A_42 step %scan3A_43  : i32 {
      %mul3A_121 = arith.constant 2 : i32
      %mul3A_122 = arith.muli %mul3A_121, %scan3A_120 : i32
      %add3A_123 = arith.constant 0 : i32
      %add3A_124 = arith.addi %add3A_123, %mul3A_122 : i32
      %mul3A_125 = arith.constant 128 : i32
      %mul3A_126 = arith.muli %add3A_124, %mul3A_125 : i32
      %dma_wait3A_127 = tpu.memref_slice %arg7[%mul3A_126] : memref<10496xi32, #tpu.memory_space<vmem>> -> memref<128xi32, #tpu.memory_space<vmem>>
      %dma_wait3A_128 = arith.constant 0 : i32
      %dma_wait3A_129 = arith.constant 0 : i32
      %dma_wait3A_130 = tpu.memref_slice %arg5[%dma_wait3A_128, %dma_wait3A_129] : memref<10000x128xf32, #tpu.memory_space<vmem_shared>> -> memref<10000x128xf32, #tpu.memory_space<vmem_shared>>
      tpu.wait_indirect_dma semaphore(%arg10 : memref<!tpu.dma_semaphore, #tpu.memory_space<semaphore_mem>>) src(%dma_wait3A_130 : memref<10000x128xf32, #tpu.memory_space<vmem_shared>>) dst(%arg8 : memref<128x128xf32, #tpu.memory_space<vmem>>)
      %mul3A_131 = arith.constant 128 : i32
      %mul3A_132 = arith.muli %add3A_124, %mul3A_131 : i32
      %add3A_133 = arith.addi %mul3A_2, %mul3A_132 : i32
      %dma_start3A_134 = arith.constant 0 : i32
      %dma_start3A_135 = tpu.memref_slice %arg4[%add3A_133, %dma_start3A_134] : memref<320000x128xf32, #tpu.memory_space<hbm>> -> memref<128x128xf32, #tpu.memory_space<hbm>>
      %dma_start3A_136 = arith.constant 0 : i32
      %dma_start3A_137 = tpu.memref_slice %arg4[%add3A_133, %dma_start3A_136] : memref<320000x128xf32, #tpu.memory_space<hbm>> -> memref<128x128xf32, #tpu.memory_space<hbm>>
      tpu.enqueue_dma source(%arg8 : memref<128x128xf32, #tpu.memory_space<vmem>>) target(%dma_start3A_137 : memref<128x128xf32, #tpu.memory_space<hbm>>) target_semaphore(%arg12 : memref<!tpu.dma_semaphore, #tpu.memory_space<semaphore_mem>>)
      %gt3A = arith.constant 0 : i32
      %gt3A_138 = arith.cmpi sgt, %scan3A_120, %gt3A : i32
      %convert_element_type3A_139 = arith.extui %gt3A_138 : i1 to i32
      %cond3A_140 = arith.constant 0 : i32
      %cond3A_141 = arith.cmpi ne, %convert_element_type3A_139, %cond3A_140 : i32
      scf.if %cond3A_141 {
        %sub3A = arith.constant 1 : i32
        %sub3A_179 = arith.subi %add3A_124, %sub3A : i32
        %mul3A_180 = arith.constant 128 : i32
        %mul3A_181 = arith.muli %sub3A_179, %mul3A_180 : i32
        %add3A_182 = arith.addi %mul3A_2, %mul3A_181 : i32
        %dma_wait3A_183 = arith.constant 0 : i32
        %dma_wait3A_184 = tpu.memref_slice %arg4[%add3A_182, %dma_wait3A_183] : memref<320000x128xf32, #tpu.memory_space<hbm>> -> memref<128x128xf32, #tpu.memory_space<hbm>>
        %dma_wait3A_185 = arith.constant 0 : i32
        %dma_wait3A_186 = tpu.memref_slice %arg4[%add3A_182, %dma_wait3A_185] : memref<320000x128xf32, #tpu.memory_space<hbm>> -> memref<128x128xf32, #tpu.memory_space<hbm>>
        tpu.wait_dma2 semaphore(%arg13 : memref<!tpu.dma_semaphore, #tpu.memory_space<semaphore_mem>>) src(%arg9 : memref<128x128xf32, #tpu.memory_space<vmem>>) dst(%dma_wait3A_186 : memref<128x128xf32, #tpu.memory_space<hbm>>)
      } else {
      }
      %add3A_142 = arith.constant 1 : i32
      %add3A_143 = arith.addi %add3A_124, %add3A_142 : i32
      %mul3A_144 = arith.constant 128 : i32
      %mul3A_145 = arith.muli %add3A_143, %mul3A_144 : i32
      %dma_start3A_146 = tpu.memref_slice %arg7[%mul3A_145] : memref<10496xi32, #tpu.memory_space<vmem>> -> memref<128xi32, #tpu.memory_space<vmem>>
      %dma_start3A_147 = arith.constant 0 : i32
      %dma_start3A_148 = arith.constant 0 : i32
      %dma_start3A_149 = tpu.memref_slice %arg5[%dma_start3A_147, %dma_start3A_148] : memref<10000x128xf32, #tpu.memory_space<vmem_shared>> -> memref<10000x128xf32, #tpu.memory_space<vmem_shared>>
      tpu.enqueue_indirect_dma source(%dma_start3A_149 : memref<10000x128xf32, #tpu.memory_space<vmem_shared>>) target(%arg9 : memref<128x128xf32, #tpu.memory_space<vmem>>) offsets(%dma_start3A_146 : memref<128xi32, #tpu.memory_space<vmem>>) semaphore(%arg11 : memref<!tpu.dma_semaphore, #tpu.memory_space<semaphore_mem>>)
      %add3A_150 = arith.constant 1 : i32
      %add3A_151 = arith.addi %add3A_124, %add3A_150 : i32
      %mul3A_152 = arith.constant 128 : i32
      %mul3A_153 = arith.muli %add3A_151, %mul3A_152 : i32
      %dma_wait3A_154 = tpu.memref_slice %arg7[%mul3A_153] : memref<10496xi32, #tpu.memory_space<vmem>> -> memref<128xi32, #tpu.memory_space<vmem>>
      %dma_wait3A_155 = arith.constant 0 : i32
      %dma_wait3A_156 = arith.constant 0 : i32
      %dma_wait3A_157 = tpu.memref_slice %arg5[%dma_wait3A_155, %dma_wait3A_156] : memref<10000x128xf32, #tpu.memory_space<vmem_shared>> -> memref<10000x128xf32, #tpu.memory_space<vmem_shared>>
      tpu.wait_indirect_dma semaphore(%arg11 : memref<!tpu.dma_semaphore, #tpu.memory_space<semaphore_mem>>) src(%dma_wait3A_157 : memref<10000x128xf32, #tpu.memory_space<vmem_shared>>) dst(%arg9 : memref<128x128xf32, #tpu.memory_space<vmem>>)
      %add3A_158 = arith.constant 1 : i32
      %add3A_159 = arith.addi %add3A_124, %add3A_158 : i32
      %mul3A_160 = arith.constant 128 : i32
      %mul3A_161 = arith.muli %add3A_159, %mul3A_160 : i32
      %add3A_162 = arith.addi %mul3A_2, %mul3A_161 : i32
      %dma_start3A_163 = arith.constant 0 : i32
      %dma_start3A_164 = tpu.memref_slice %arg4[%add3A_162, %dma_start3A_163] : memref<320000x128xf32, #tpu.memory_space<hbm>> -> memref<128x128xf32, #tpu.memory_space<hbm>>
      %dma_start3A_165 = arith.constant 0 : i32
      %dma_start3A_166 = tpu.memref_slice %arg4[%add3A_162, %dma_start3A_165] : memref<320000x128xf32, #tpu.memory_space<hbm>> -> memref<128x128xf32, #tpu.memory_space<hbm>>
      tpu.enqueue_dma source(%arg9 : memref<128x128xf32, #tpu.memory_space<vmem>>) target(%dma_start3A_166 : memref<128x128xf32, #tpu.memory_space<hbm>>) target_semaphore(%arg13 : memref<!tpu.dma_semaphore, #tpu.memory_space<semaphore_mem>>)
      %mul3A_167 = arith.constant 128 : i32
      %mul3A_168 = arith.muli %add3A_124, %mul3A_167 : i32
      %add3A_169 = arith.addi %mul3A_2, %mul3A_168 : i32
      %dma_wait3A_170 = arith.constant 0 : i32
      %dma_wait3A_171 = tpu.memref_slice %arg4[%add3A_169, %dma_wait3A_170] : memref<320000x128xf32, #tpu.memory_space<hbm>> -> memref<128x128xf32, #tpu.memory_space<hbm>>
      %dma_wait3A_172 = arith.constant 0 : i32
      %dma_wait3A_173 = tpu.memref_slice %arg4[%add3A_169, %dma_wait3A_172] : memref<320000x128xf32, #tpu.memory_space<hbm>> -> memref<128x128xf32, #tpu.memory_space<hbm>>
      tpu.wait_dma2 semaphore(%arg12 : memref<!tpu.dma_semaphore, #tpu.memory_space<semaphore_mem>>) src(%arg8 : memref<128x128xf32, #tpu.memory_space<vmem>>) dst(%dma_wait3A_173 : memref<128x128xf32, #tpu.memory_space<hbm>>)
      %lt3A_174 = arith.constant 12 : i32
      %lt3A_175 = arith.cmpi slt, %scan3A_120, %lt3A_174 : i32
      %convert_element_type3A_176 = arith.extui %lt3A_175 : i1 to i32
      %cond3A_177 = arith.constant 0 : i32
      %cond3A_178 = arith.cmpi ne, %convert_element_type3A_176, %cond3A_177 : i32
      scf.if %cond3A_178 {
        %add3A_179 = arith.constant 2 : i32
        %add3A_180 = arith.addi %add3A_124, %add3A_179 : i32
        %mul3A_181 = arith.constant 128 : i32
        %mul3A_182 = arith.muli %add3A_180, %mul3A_181 : i32
        %dma_start3A_183 = tpu.memref_slice %arg7[%mul3A_182] : memref<10496xi32, #tpu.memory_space<vmem>> -> memref<128xi32, #tpu.memory_space<vmem>>
        %dma_start3A_184 = arith.constant 0 : i32
        %dma_start3A_185 = arith.constant 0 : i32
        %dma_start3A_186 = tpu.memref_slice %arg5[%dma_start3A_184, %dma_start3A_185] : memref<10000x128xf32, #tpu.memory_space<vmem_shared>> -> memref<10000x128xf32, #tpu.memory_space<vmem_shared>>
        tpu.enqueue_indirect_dma source(%dma_start3A_186 : memref<10000x128xf32, #tpu.memory_space<vmem_shared>>) target(%arg8 : memref<128x128xf32, #tpu.memory_space<vmem>>) offsets(%dma_start3A_183 : memref<128xi32, #tpu.memory_space<vmem>>) semaphore(%arg10 : memref<!tpu.dma_semaphore, #tpu.memory_space<semaphore_mem>>)
      } else {
      }
    }
    %scan3A_44 = arith.constant 13 : i32
    %add3A_45 = arith.constant 3328 : i32
    %add3A_46 = arith.addi %mul3A_2, %add3A_45 : i32
    %dma_wait3A_47 = arith.constant 0 : i32
    %dma_wait3A_48 = tpu.memref_slice %arg2[%dma_wait3A_47, %add3A_46] : memref<2x320000xi32, #tpu.memory_space<hbm>> -> memref<2x3328xi32, #tpu.memory_space<hbm>>
    %dma_wait3A_49 = arith.constant 0 : i32
    %dma_wait3A_50 = tpu.memref_slice %arg2[%dma_wait3A_49, %add3A_46] : memref<2x320000xi32, #tpu.memory_space<hbm>> -> memref<2x3328xi32, #tpu.memory_space<hbm>>
    tpu.wait_dma2 semaphore(%arg14 : memref<!tpu.dma_semaphore, #tpu.memory_space<semaphore_mem>>) src(%dma_wait3A_50 : memref<2x3328xi32, #tpu.memory_space<hbm>>) dst(%arg6 : memref<2x3328xi32, #tpu.memory_space<vmem>>)
    %scan3A_51 = arith.constant 0 : i32
    %scan3A_52 = arith.constant 0 : i32
    %scan3A_53 = arith.constant 26 : i32
    %scan3A_54 = arith.addi %scan3A_52, %scan3A_53 : i32
    %scan3A_55 = arith.constant 1 : i32
    scf.for %scan3A_120 = %scan3A_52 to %scan3A_54 step %scan3A_55  : i32 {
      %mul3A_121 = arith.constant 128 : i32
      %mul3A_122 = arith.muli %scan3A_120, %mul3A_121 : i32
      %add3A_123 = arith.constant 0 : i32
      %add3A_124 = arith.addi %mul3A_122, %add3A_123 : i32
      %get3A = arith.constant 0 : i32
      %get3A_125 = arith.index_cast %get3A : i32 to index
      %get3A_126 = arith.index_cast %add3A_124 : i32 to index
      %get3A_127 = tpu.vector_load %arg6[%get3A_125, %get3A_126] {strides = array<i32>} : memref<2x3328xi32, #tpu.memory_space<vmem>>, vector<1x16xi32>,
      %get3A_128 = vector.shape_cast %get3A_127 : vector<1x16xi32> to vector<16xi32>
      %add3A_129 = arith.constant 3328 : i32
      %add3A_130 = arith.addi %add3A_129, %add3A_124 : i32
      %swap3A = arith.index_cast %add3A_130 : i32 to index
      %swap3A_131 = tpu.vector_load %arg7[%swap3A] {strides = array<i32>} : memref<10496xi32, #tpu.memory_space<vmem>>, vector<16xi32>,
      %swap3A_132 = vector.shape_cast %swap3A_131 : vector<16xi32> to vector<16xi32>
      %swap3A_133 = vector.shape_cast %get3A_128 : vector<16xi32> to vector<16xi32>
      tpu.vector_store %arg7[%swap3A], %swap3A_133 {strides = array<i32>} : memref<10496xi32, #tpu.memory_space<vmem>>, vector<16xi32>,
      %mul3A_134 = arith.constant 128 : i32
      %mul3A_135 = arith.muli %scan3A_120, %mul3A_134 : i32
      %add3A_136 = arith.constant 16 : i32
      %add3A_137 = arith.addi %mul3A_135, %add3A_136 : i32
      %get3A_138 = arith.constant 0 : i32
      %get3A_139 = arith.index_cast %get3A_138 : i32 to index
      %get3A_140 = arith.index_cast %add3A_137 : i32 to index
      %get3A_141 = tpu.vector_load %arg6[%get3A_139, %get3A_140] {strides = array<i32>} : memref<2x3328xi32, #tpu.memory_space<vmem>>, vector<1x16xi32>,
      %get3A_142 = vector.shape_cast %get3A_141 : vector<1x16xi32> to vector<16xi32>
      %add3A_143 = arith.constant 3328 : i32
      %add3A_144 = arith.addi %add3A_143, %add3A_137 : i32
      %swap3A_145 = arith.index_cast %add3A_144 : i32 to index
      %swap3A_146 = tpu.vector_load %arg7[%swap3A_145] {strides = array<i32>} : memref<10496xi32, #tpu.memory_space<vmem>>, vector<16xi32>,
      %swap3A_147 = vector.shape_cast %swap3A_146 : vector<16xi32> to vector<16xi32>
      %swap3A_148 = vector.shape_cast %get3A_142 : vector<16xi32> to vector<16xi32>
      tpu.vector_store %arg7[%swap3A_145], %swap3A_148 {strides = array<i32>} : memref<10496xi32, #tpu.memory_space<vmem>>, vector<16xi32>,
      %mul3A_149 = arith.constant 128 : i32
      %mul3A_150 = arith.muli %scan3A_120, %mul3A_149 : i32
      %add3A_151 = arith.constant 32 : i32
      %add3A_152 = arith.addi %mul3A_150, %add3A_151 : i32
      %get3A_153 = arith.constant 0 : i32
      %get3A_154 = arith.index_cast %get3A_153 : i32 to index
      %get3A_155 = arith.index_cast %add3A_152 : i32 to index
      %get3A_156 = tpu.vector_load %arg6[%get3A_154, %get3A_155] {strides = array<i32>} : memref<2x3328xi32, #tpu.memory_space<vmem>>, vector<1x16xi32>,
      %get3A_157 = vector.shape_cast %get3A_156 : vector<1x16xi32> to vector<16xi32>
      %add3A_158 = arith.constant 3328 : i32
      %add3A_159 = arith.addi %add3A_158, %add3A_152 : i32
      %swap3A_160 = arith.index_cast %add3A_159 : i32 to index
      %swap3A_161 = tpu.vector_load %arg7[%swap3A_160] {strides = array<i32>} : memref<10496xi32, #tpu.memory_space<vmem>>, vector<16xi32>,
      %swap3A_162 = vector.shape_cast %swap3A_161 : vector<16xi32> to vector<16xi32>
      %swap3A_163 = vector.shape_cast %get3A_157 : vector<16xi32> to vector<16xi32>
      tpu.vector_store %arg7[%swap3A_160], %swap3A_163 {strides = array<i32>} : memref<10496xi32, #tpu.memory_space<vmem>>, vector<16xi32>,
      %mul3A_164 = arith.constant 128 : i32
      %mul3A_165 = arith.muli %scan3A_120, %mul3A_164 : i32
      %add3A_166 = arith.constant 48 : i32
      %add3A_167 = arith.addi %mul3A_165, %add3A_166 : i32
      %get3A_168 = arith.constant 0 : i32
      %get3A_169 = arith.index_cast %get3A_168 : i32 to index
      %get3A_170 = arith.index_cast %add3A_167 : i32 to index
      %get3A_171 = tpu.vector_load %arg6[%get3A_169, %get3A_170] {strides = array<i32>} : memref<2x3328xi32, #tpu.memory_space<vmem>>, vector<1x16xi32>,
      %get3A_172 = vector.shape_cast %get3A_171 : vector<1x16xi32> to vector<16xi32>
      %add3A_173 = arith.constant 3328 : i32
      %add3A_174 = arith.addi %add3A_173, %add3A_167 : i32
      %swap3A_175 = arith.index_cast %add3A_174 : i32 to index
      %swap3A_176 = tpu.vector_load %arg7[%swap3A_175] {strides = array<i32>} : memref<10496xi32, #tpu.memory_space<vmem>>, vector<16xi32>,
      %swap3A_177 = vector.shape_cast %swap3A_176 : vector<16xi32> to vector<16xi32>
      %swap3A_178 = vector.shape_cast %get3A_172 : vector<16xi32> to vector<16xi32>
      tpu.vector_store %arg7[%swap3A_175], %swap3A_178 {strides = array<i32>} : memref<10496xi32, #tpu.memory_space<vmem>>, vector<16xi32>,
      %mul3A_179 = arith.constant 128 : i32
      %mul3A_180 = arith.muli %scan3A_120, %mul3A_179 : i32
      %add3A_181 = arith.constant 64 : i32
      %add3A_182 = arith.addi %mul3A_180, %add3A_181 : i32
      %get3A_183 = arith.constant 0 : i32
      %get3A_184 = arith.index_cast %get3A_183 : i32 to index
      %get3A_185 = arith.index_cast %add3A_182 : i32 to index
      %get3A_186 = tpu.vector_load %arg6[%get3A_184, %get3A_185] {strides = array<i32>} : memref<2x3328xi32, #tpu.memory_space<vmem>>, vector<1x16xi32>,
      %get3A_187 = vector.shape_cast %get3A_186 : vector<1x16xi32> to vector<16xi32>
      %add3A_188 = arith.constant 3328 : i32
      %add3A_189 = arith.addi %add3A_188, %add3A_182 : i32
      %swap3A_190 = arith.index_cast %add3A_189 : i32 to index
      %swap3A_191 = tpu.vector_load %arg7[%swap3A_190] {strides = array<i32>} : memref<10496xi32, #tpu.memory_space<vmem>>, vector<16xi32>,
      %swap3A_192 = vector.shape_cast %swap3A_191 : vector<16xi32> to vector<16xi32>
      %swap3A_193 = vector.shape_cast %get3A_187 : vector<16xi32> to vector<16xi32>
      tpu.vector_store %arg7[%swap3A_190], %swap3A_193 {strides = array<i32>} : memref<10496xi32, #tpu.memory_space<vmem>>, vector<16xi32>,
      %mul3A_194 = arith.constant 128 : i32
      %mul3A_195 = arith.muli %scan3A_120, %mul3A_194 : i32
      %add3A_196 = arith.constant 80 : i32
      %add3A_197 = arith.addi %mul3A_195, %add3A_196 : i32
      %get3A_198 = arith.constant 0 : i32
      %get3A_199 = arith.index_cast %get3A_198 : i32 to index
      %get3A_200 = arith.index_cast %add3A_197 : i32 to index
      %get3A_201 = tpu.vector_load %arg6[%get3A_199, %get3A_200] {strides = array<i32>} : memref<2x3328xi32, #tpu.memory_space<vmem>>, vector<1x16xi32>,
      %get3A_202 = vector.shape_cast %get3A_201 : vector<1x16xi32> to vector<16xi32>
      %add3A_203 = arith.constant 3328 : i32
      %add3A_204 = arith.addi %add3A_203, %add3A_197 : i32
      %swap3A_205 = arith.index_cast %add3A_204 : i32 to index
      %swap3A_206 = tpu.vector_load %arg7[%swap3A_205] {strides = array<i32>} : memref<10496xi32, #tpu.memory_space<vmem>>, vector<16xi32>,
      %swap3A_207 = vector.shape_cast %swap3A_206 : vector<16xi32> to vector<16xi32>
      %swap3A_208 = vector.shape_cast %get3A_202 : vector<16xi32> to vector<16xi32>
      tpu.vector_store %arg7[%swap3A_205], %swap3A_208 {strides = array<i32>} : memref<10496xi32, #tpu.memory_space<vmem>>, vector<16xi32>,
      %mul3A_209 = arith.constant 128 : i32
      %mul3A_210 = arith.muli %scan3A_120, %mul3A_209 : i32
      %add3A_211 = arith.constant 96 : i32
      %add3A_212 = arith.addi %mul3A_210, %add3A_211 : i32
      %get3A_213 = arith.constant 0 : i32
      %get3A_214 = arith.index_cast %get3A_213 : i32 to index
      %get3A_215 = arith.index_cast %add3A_212 : i32 to index
      %get3A_216 = tpu.vector_load %arg6[%get3A_214, %get3A_215] {strides = array<i32>} : memref<2x3328xi32, #tpu.memory_space<vmem>>, vector<1x16xi32>,
      %get3A_217 = vector.shape_cast %get3A_216 : vector<1x16xi32> to vector<16xi32>
      %add3A_218 = arith.constant 3328 : i32
      %add3A_219 = arith.addi %add3A_218, %add3A_212 : i32
      %swap3A_220 = arith.index_cast %add3A_219 : i32 to index
      %swap3A_221 = tpu.vector_load %arg7[%swap3A_220] {strides = array<i32>} : memref<10496xi32, #tpu.memory_space<vmem>>, vector<16xi32>,
      %swap3A_222 = vector.shape_cast %swap3A_221 : vector<16xi32> to vector<16xi32>
      %swap3A_223 = vector.shape_cast %get3A_217 : vector<16xi32> to vector<16xi32>
      tpu.vector_store %arg7[%swap3A_220], %swap3A_223 {strides = array<i32>} : memref<10496xi32, #tpu.memory_space<vmem>>, vector<16xi32>,
      %mul3A_224 = arith.constant 128 : i32
      %mul3A_225 = arith.muli %scan3A_120, %mul3A_224 : i32
      %add3A_226 = arith.constant 112 : i32
      %add3A_227 = arith.addi %mul3A_225, %add3A_226 : i32
      %get3A_228 = arith.constant 0 : i32
      %get3A_229 = arith.index_cast %get3A_228 : i32 to index
      %get3A_230 = arith.index_cast %add3A_227 : i32 to index
      %get3A_231 = tpu.vector_load %arg6[%get3A_229, %get3A_230] {strides = array<i32>} : memref<2x3328xi32, #tpu.memory_space<vmem>>, vector<1x16xi32>,
      %get3A_232 = vector.shape_cast %get3A_231 : vector<1x16xi32> to vector<16xi32>
      %add3A_233 = arith.constant 3328 : i32
      %add3A_234 = arith.addi %add3A_233, %add3A_227 : i32
      %swap3A_235 = arith.index_cast %add3A_234 : i32 to index
      %swap3A_236 = tpu.vector_load %arg7[%swap3A_235] {strides = array<i32>} : memref<10496xi32, #tpu.memory_space<vmem>>, vector<16xi32>,
      %swap3A_237 = vector.shape_cast %swap3A_236 : vector<16xi32> to vector<16xi32>
      %swap3A_238 = vector.shape_cast %get3A_232 : vector<16xi32> to vector<16xi32>
      tpu.vector_store %arg7[%swap3A_235], %swap3A_238 {strides = array<i32>} : memref<10496xi32, #tpu.memory_space<vmem>>, vector<16xi32>,
    }
    %scan3A_56 = arith.constant 26 : i32
    %add3A_57 = arith.constant 6656 : i32
    %add3A_58 = arith.addi %mul3A_2, %add3A_57 : i32
    %dma_start3A_59 = arith.constant 0 : i32
    %dma_start3A_60 = tpu.memref_slice %arg2[%dma_start3A_59, %add3A_58] : memref<2x320000xi32, #tpu.memory_space<hbm>> -> memref<2x3328xi32, #tpu.memory_space<hbm>>
    %dma_start3A_61 = arith.constant 0 : i32
    %dma_start3A_62 = tpu.memref_slice %arg2[%dma_start3A_61, %add3A_58] : memref<2x320000xi32, #tpu.memory_space<hbm>> -> memref<2x3328xi32, #tpu.memory_space<hbm>>
    tpu.enqueue_dma source(%dma_start3A_62 : memref<2x3328xi32, #tpu.memory_space<hbm>>) target(%arg6 : memref<2x3328xi32, #tpu.memory_space<vmem>>) target_semaphore(%arg14 : memref<!tpu.dma_semaphore, #tpu.memory_space<semaphore_mem>>)
    %dma_start3A_63 = arith.constant 3328 : i32
    %dma_start3A_64 = tpu.memref_slice %arg7[%dma_start3A_63] : memref<10496xi32, #tpu.memory_space<vmem>> -> memref<128xi32, #tpu.memory_space<vmem>>
    %dma_start3A_65 = arith.constant 0 : i32
    %dma_start3A_66 = arith.constant 0 : i32
    %dma_start3A_67 = tpu.memref_slice %arg5[%dma_start3A_65, %dma_start3A_66] : memref<10000x128xf32, #tpu.memory_space<vmem_shared>> -> memref<10000x128xf32, #tpu.memory_space<vmem_shared>>
    tpu.enqueue_indirect_dma source(%dma_start3A_67 : memref<10000x128xf32, #tpu.memory_space<vmem_shared>>) target(%arg8 : memref<128x128xf32, #tpu.memory_space<vmem>>) offsets(%dma_start3A_64 : memref<128xi32, #tpu.memory_space<vmem>>) semaphore(%arg10 : memref<!tpu.dma_semaphore, #tpu.memory_space<semaphore_mem>>)
    %add3A_68 = arith.constant 3200 : i32
    %add3A_69 = arith.addi %mul3A_2, %add3A_68 : i32
    %dma_wait3A_70 = arith.constant 0 : i32
    %dma_wait3A_71 = tpu.memref_slice %arg4[%add3A_69, %dma_wait3A_70] : memref<320000x128xf32, #tpu.memory_space<hbm>> -> memref<128x128xf32, #tpu.memory_space<hbm>>
    %dma_wait3A_72 = arith.constant 0 : i32
    %dma_wait3A_73 = tpu.memref_slice %arg4[%add3A_69, %dma_wait3A_72] : memref<320000x128xf32, #tpu.memory_space<hbm>> -> memref<128x128xf32, #tpu.memory_space<hbm>>
    tpu.wait_dma2 semaphore(%arg13 : memref<!tpu.dma_semaphore, #tpu.memory_space<semaphore_mem>>) src(%arg9 : memref<128x128xf32, #tpu.memory_space<vmem>>) dst(%dma_wait3A_73 : memref<128x128xf32, #tpu.memory_space<hbm>>)
    %scan3A_74 = arith.constant 0 : i32
    %scan3A_75 = arith.constant 0 : i32
    %scan3A_76 = arith.constant 13 : i32
    %scan3A_77 = arith.addi %scan3A_75, %scan3A_76 : i32
    %scan3A_78 = arith.constant 1 : i32
    scf.for %scan3A_120 = %scan3A_75 to %scan3A_77 step %scan3A_78  : i32 {
      %mul3A_121 = arith.constant 2 : i32
      %mul3A_122 = arith.muli %mul3A_121, %scan3A_120 : i32
      %add3A_123 = arith.constant 26 : i32
      %add3A_124 = arith.addi %add3A_123, %mul3A_122 : i32
      %mul3A_125 = arith.constant 128 : i32
      %mul3A_126 = arith.muli %add3A_124, %mul3A_125 : i32
      %dma_wait3A_127 = tpu.memref_slice %arg7[%mul3A_126] : memref<10496xi32, #tpu.memory_space<vmem>> -> memref<128xi32, #tpu.memory_space<vmem>>
      %dma_wait3A_128 = arith.constant 0 : i32
      %dma_wait3A_129 = arith.constant 0 : i32
      %dma_wait3A_130 = tpu.memref_slice %arg5[%dma_wait3A_128, %dma_wait3A_129] : memref<10000x128xf32, #tpu.memory_space<vmem_shared>> -> memref<10000x128xf32, #tpu.memory_space<vmem_shared>>
      tpu.wait_indirect_dma semaphore(%arg10 : memref<!tpu.dma_semaphore, #tpu.memory_space<semaphore_mem>>) src(%dma_wait3A_130 : memref<10000x128xf32, #tpu.memory_space<vmem_shared>>) dst(%arg8 : memref<128x128xf32, #tpu.memory_space<vmem>>)
      %mul3A_131 = arith.constant 128 : i32
      %mul3A_132 = arith.muli %add3A_124, %mul3A_131 : i32
      %add3A_133 = arith.addi %mul3A_2, %mul3A_132 : i32
      %dma_start3A_134 = arith.constant 0 : i32
      %dma_start3A_135 = tpu.memref_slice %arg4[%add3A_133, %dma_start3A_134] : memref<320000x128xf32, #tpu.memory_space<hbm>> -> memref<128x128xf32, #tpu.memory_space<hbm>>
      %dma_start3A_136 = arith.constant 0 : i32
      %dma_start3A_137 = tpu.memref_slice %arg4[%add3A_133, %dma_start3A_136] : memref<320000x128xf32, #tpu.memory_space<hbm>> -> memref<128x128xf32, #tpu.memory_space<hbm>>
      tpu.enqueue_dma source(%arg8 : memref<128x128xf32, #tpu.memory_space<vmem>>) target(%dma_start3A_137 : memref<128x128xf32, #tpu.memory_space<hbm>>) target_semaphore(%arg12 : memref<!tpu.dma_semaphore, #tpu.memory_space<semaphore_mem>>)
      %gt3A = arith.constant 0 : i32
      %gt3A_138 = arith.cmpi sgt, %scan3A_120, %gt3A : i32
      %convert_element_type3A_139 = arith.extui %gt3A_138 : i1 to i32
      %cond3A_140 = arith.constant 0 : i32
      %cond3A_141 = arith.cmpi ne, %convert_element_type3A_139, %cond3A_140 : i32
      scf.if %cond3A_141 {
        %sub3A = arith.constant 1 : i32
        %sub3A_179 = arith.subi %add3A_124, %sub3A : i32
        %mul3A_180 = arith.constant 128 : i32
        %mul3A_181 = arith.muli %sub3A_179, %mul3A_180 : i32
        %add3A_182 = arith.addi %mul3A_2, %mul3A_181 : i32
        %dma_wait3A_183 = arith.constant 0 : i32
        %dma_wait3A_184 = tpu.memref_slice %arg4[%add3A_182, %dma_wait3A_183] : memref<320000x128xf32, #tpu.memory_space<hbm>> -> memref<128x128xf32, #tpu.memory_space<hbm>>
        %dma_wait3A_185 = arith.constant 0 : i32
        %dma_wait3A_186 = tpu.memref_slice %arg4[%add3A_182, %dma_wait3A_185] : memref<320000x128xf32, #tpu.memory_space<hbm>> -> memref<128x128xf32, #tpu.memory_space<hbm>>
        tpu.wait_dma2 semaphore(%arg13 : memref<!tpu.dma_semaphore, #tpu.memory_space<semaphore_mem>>) src(%arg9 : memref<128x128xf32, #tpu.memory_space<vmem>>) dst(%dma_wait3A_186 : memref<128x128xf32, #tpu.memory_space<hbm>>)
      } else {
      }
      %add3A_142 = arith.constant 1 : i32
      %add3A_143 = arith.addi %add3A_124, %add3A_142 : i32
      %mul3A_144 = arith.constant 128 : i32
      %mul3A_145 = arith.muli %add3A_143, %mul3A_144 : i32
      %dma_start3A_146 = tpu.memref_slice %arg7[%mul3A_145] : memref<10496xi32, #tpu.memory_space<vmem>> -> memref<128xi32, #tpu.memory_space<vmem>>
      %dma_start3A_147 = arith.constant 0 : i32
      %dma_start3A_148 = arith.constant 0 : i32
      %dma_start3A_149 = tpu.memref_slice %arg5[%dma_start3A_147, %dma_start3A_148] : memref<10000x128xf32, #tpu.memory_space<vmem_shared>> -> memref<10000x128xf32, #tpu.memory_space<vmem_shared>>
      tpu.enqueue_indirect_dma source(%dma_start3A_149 : memref<10000x128xf32, #tpu.memory_space<vmem_shared>>) target(%arg9 : memref<128x128xf32, #tpu.memory_space<vmem>>) offsets(%dma_start3A_146 : memref<128xi32, #tpu.memory_space<vmem>>) semaphore(%arg11 : memref<!tpu.dma_semaphore, #tpu.memory_space<semaphore_mem>>)
      %add3A_150 = arith.constant 1 : i32
      %add3A_151 = arith.addi %add3A_124, %add3A_150 : i32
      %mul3A_152 = arith.constant 128 : i32
      %mul3A_153 = arith.muli %add3A_151, %mul3A_152 : i32
      %dma_wait3A_154 = tpu.memref_slice %arg7[%mul3A_153] : memref<10496xi32, #tpu.memory_space<vmem>> -> memref<128xi32, #tpu.memory_space<vmem>>
      %dma_wait3A_155 = arith.constant 0 : i32
      %dma_wait3A_156 = arith.constant 0 : i32
      %dma_wait3A_157 = tpu.memref_slice %arg5[%dma_wait3A_155, %dma_wait3A_156] : memref<10000x128xf32, #tpu.memory_space<vmem_shared>> -> memref<10000x128xf32, #tpu.memory_space<vmem_shared>>
      tpu.wait_indirect_dma semaphore(%arg11 : memref<!tpu.dma_semaphore, #tpu.memory_space<semaphore_mem>>) src(%dma_wait3A_157 : memref<10000x128xf32, #tpu.memory_space<vmem_shared>>) dst(%arg9 : memref<128x128xf32, #tpu.memory_space<vmem>>)
      %add3A_158 = arith.constant 1 : i32
      %add3A_159 = arith.addi %add3A_124, %add3A_158 : i32
      %mul3A_160 = arith.constant 128 : i32
      %mul3A_161 = arith.muli %add3A_159, %mul3A_160 : i32
      %add3A_162 = arith.addi %mul3A_2, %mul3A_161 : i32
      %dma_start3A_163 = arith.constant 0 : i32
      %dma_start3A_164 = tpu.memref_slice %arg4[%add3A_162, %dma_start3A_163] : memref<320000x128xf32, #tpu.memory_space<hbm>> -> memref<128x128xf32, #tpu.memory_space<hbm>>
      %dma_start3A_165 = arith.constant 0 : i32
      %dma_start3A_166 = tpu.memref_slice %arg4[%add3A_162, %dma_start3A_165] : memref<320000x128xf32, #tpu.memory_space<hbm>> -> memref<128x128xf32, #tpu.memory_space<hbm>>
      tpu.enqueue_dma source(%arg9 : memref<128x128xf32, #tpu.memory_space<vmem>>) target(%dma_start3A_166 : memref<128x128xf32, #tpu.memory_space<hbm>>) target_semaphore(%arg13 : memref<!tpu.dma_semaphore, #tpu.memory_space<semaphore_mem>>)
      %mul3A_167 = arith.constant 128 : i32
      %mul3A_168 = arith.muli %add3A_124, %mul3A_167 : i32
      %add3A_169 = arith.addi %mul3A_2, %mul3A_168 : i32
      %dma_wait3A_170 = arith.constant 0 : i32
      %dma_wait3A_171 = tpu.memref_slice %arg4[%add3A_169, %dma_wait3A_170] : memref<320000x128xf32, #tpu.memory_space<hbm>> -> memref<128x128xf32, #tpu.memory_space<hbm>>
      %dma_wait3A_172 = arith.constant 0 : i32
      %dma_wait3A_173 = tpu.memref_slice %arg4[%add3A_169, %dma_wait3A_172] : memref<320000x128xf32, #tpu.memory_space<hbm>> -> memref<128x128xf32, #tpu.memory_space<hbm>>
      tpu.wait_dma2 semaphore(%arg12 : memref<!tpu.dma_semaphore, #tpu.memory_space<semaphore_mem>>) src(%arg8 : memref<128x128xf32, #tpu.memory_space<vmem>>) dst(%dma_wait3A_173 : memref<128x128xf32, #tpu.memory_space<hbm>>)
      %lt3A_174 = arith.constant 12 : i32
      %lt3A_175 = arith.cmpi slt, %scan3A_120, %lt3A_174 : i32
      %convert_element_type3A_176 = arith.extui %lt3A_175 : i1 to i32
      %cond3A_177 = arith.constant 0 : i32
      %cond3A_178 = arith.cmpi ne, %convert_element_type3A_176, %cond3A_177 : i32
      scf.if %cond3A_178 {
        %add3A_179 = arith.constant 2 : i32
        %add3A_180 = arith.addi %add3A_124, %add3A_179 : i32
        %mul3A_181 = arith.constant 128 : i32
        %mul3A_182 = arith.muli %add3A_180, %mul3A_181 : i32
        %dma_start3A_183 = tpu.memref_slice %arg7[%mul3A_182] : memref<10496xi32, #tpu.memory_space<vmem>> -> memref<128xi32, #tpu.memory_space<vmem>>
        %dma_start3A_184 = arith.constant 0 : i32
        %dma_start3A_185 = arith.constant 0 : i32
        %dma_start3A_186 = tpu.memref_slice %arg5[%dma_start3A_184, %dma_start3A_185] : memref<10000x128xf32, #tpu.memory_space<vmem_shared>> -> memref<10000x128xf32, #tpu.memory_space<vmem_shared>>
        tpu.enqueue_indirect_dma source(%dma_start3A_186 : memref<10000x128xf32, #tpu.memory_space<vmem_shared>>) target(%arg8 : memref<128x128xf32, #tpu.memory_space<vmem>>) offsets(%dma_start3A_183 : memref<128xi32, #tpu.memory_space<vmem>>) semaphore(%arg10 : memref<!tpu.dma_semaphore, #tpu.memory_space<semaphore_mem>>)
      } else {
      }
    }
    %scan3A_79 = arith.constant 13 : i32
    %add3A_80 = arith.constant 6656 : i32
    %add3A_81 = arith.addi %mul3A_2, %add3A_80 : i32
    %dma_wait3A_82 = arith.constant 0 : i32
    %dma_wait3A_83 = tpu.memref_slice %arg2[%dma_wait3A_82, %add3A_81] : memref<2x320000xi32, #tpu.memory_space<hbm>> -> memref<2x3328xi32, #tpu.memory_space<hbm>>
    %dma_wait3A_84 = arith.constant 0 : i32
    %dma_wait3A_85 = tpu.memref_slice %arg2[%dma_wait3A_84, %add3A_81] : memref<2x320000xi32, #tpu.memory_space<hbm>> -> memref<2x3328xi32, #tpu.memory_space<hbm>>
    tpu.wait_dma2 semaphore(%arg14 : memref<!tpu.dma_semaphore, #tpu.memory_space<semaphore_mem>>) src(%dma_wait3A_85 : memref<2x3328xi32, #tpu.memory_space<hbm>>) dst(%arg6 : memref<2x3328xi32, #tpu.memory_space<vmem>>)
    %scan3A_86 = arith.constant 0 : i32
    %scan3A_87 = arith.constant 0 : i32
    %scan3A_88 = arith.constant 26 : i32
    %scan3A_89 = arith.addi %scan3A_87, %scan3A_88 : i32
    %scan3A_90 = arith.constant 1 : i32
    scf.for %scan3A_120 = %scan3A_87 to %scan3A_89 step %scan3A_90  : i32 {
      %mul3A_121 = arith.constant 128 : i32
      %mul3A_122 = arith.muli %scan3A_120, %mul3A_121 : i32
      %add3A_123 = arith.constant 0 : i32
      %add3A_124 = arith.addi %mul3A_122, %add3A_123 : i32
      %get3A = arith.constant 0 : i32
      %get3A_125 = arith.index_cast %get3A : i32 to index
      %get3A_126 = arith.index_cast %add3A_124 : i32 to index
      %get3A_127 = tpu.vector_load %arg6[%get3A_125, %get3A_126] {strides = array<i32>} : memref<2x3328xi32, #tpu.memory_space<vmem>>, vector<1x16xi32>,
      %get3A_128 = vector.shape_cast %get3A_127 : vector<1x16xi32> to vector<16xi32>
      %add3A_129 = arith.constant 6656 : i32
      %add3A_130 = arith.addi %add3A_129, %add3A_124 : i32
      %swap3A = arith.index_cast %add3A_130 : i32 to index
      %swap3A_131 = tpu.vector_load %arg7[%swap3A] {strides = array<i32>} : memref<10496xi32, #tpu.memory_space<vmem>>, vector<16xi32>,
      %swap3A_132 = vector.shape_cast %swap3A_131 : vector<16xi32> to vector<16xi32>
      %swap3A_133 = vector.shape_cast %get3A_128 : vector<16xi32> to vector<16xi32>
      tpu.vector_store %arg7[%swap3A], %swap3A_133 {strides = array<i32>} : memref<10496xi32, #tpu.memory_space<vmem>>, vector<16xi32>,
      %mul3A_134 = arith.constant 128 : i32
      %mul3A_135 = arith.muli %scan3A_120, %mul3A_134 : i32
      %add3A_136 = arith.constant 16 : i32
      %add3A_137 = arith.addi %mul3A_135, %add3A_136 : i32
      %get3A_138 = arith.constant 0 : i32
      %get3A_139 = arith.index_cast %get3A_138 : i32 to index
      %get3A_140 = arith.index_cast %add3A_137 : i32 to index
      %get3A_141 = tpu.vector_load %arg6[%get3A_139, %get3A_140] {strides = array<i32>} : memref<2x3328xi32, #tpu.memory_space<vmem>>, vector<1x16xi32>,
      %get3A_142 = vector.shape_cast %get3A_141 : vector<1x16xi32> to vector<16xi32>
      %add3A_143 = arith.constant 6656 : i32
      %add3A_144 = arith.addi %add3A_143, %add3A_137 : i32
      %swap3A_145 = arith.index_cast %add3A_144 : i32 to index
      %swap3A_146 = tpu.vector_load %arg7[%swap3A_145] {strides = array<i32>} : memref<10496xi32, #tpu.memory_space<vmem>>, vector<16xi32>,
      %swap3A_147 = vector.shape_cast %swap3A_146 : vector<16xi32> to vector<16xi32>
      %swap3A_148 = vector.shape_cast %get3A_142 : vector<16xi32> to vector<16xi32>
      tpu.vector_store %arg7[%swap3A_145], %swap3A_148 {strides = array<i32>} : memref<10496xi32, #tpu.memory_space<vmem>>, vector<16xi32>,
      %mul3A_149 = arith.constant 128 : i32
      %mul3A_150 = arith.muli %scan3A_120, %mul3A_149 : i32
      %add3A_151 = arith.constant 32 : i32
      %add3A_152 = arith.addi %mul3A_150, %add3A_151 : i32
      %get3A_153 = arith.constant 0 : i32
      %get3A_154 = arith.index_cast %get3A_153 : i32 to index
      %get3A_155 = arith.index_cast %add3A_152 : i32 to index
      %get3A_156 = tpu.vector_load %arg6[%get3A_154, %get3A_155] {strides = array<i32>} : memref<2x3328xi32, #tpu.memory_space<vmem>>, vector<1x16xi32>,
      %get3A_157 = vector.shape_cast %get3A_156 : vector<1x16xi32> to vector<16xi32>
      %add3A_158 = arith.constant 6656 : i32
      %add3A_159 = arith.addi %add3A_158, %add3A_152 : i32
      %swap3A_160 = arith.index_cast %add3A_159 : i32 to index
      %swap3A_161 = tpu.vector_load %arg7[%swap3A_160] {strides = array<i32>} : memref<10496xi32, #tpu.memory_space<vmem>>, vector<16xi32>,
      %swap3A_162 = vector.shape_cast %swap3A_161 : vector<16xi32> to vector<16xi32>
      %swap3A_163 = vector.shape_cast %get3A_157 : vector<16xi32> to vector<16xi32>
      tpu.vector_store %arg7[%swap3A_160], %swap3A_163 {strides = array<i32>} : memref<10496xi32, #tpu.memory_space<vmem>>, vector<16xi32>,
      %mul3A_164 = arith.constant 128 : i32
      %mul3A_165 = arith.muli %scan3A_120, %mul3A_164 : i32
      %add3A_166 = arith.constant 48 : i32
      %add3A_167 = arith.addi %mul3A_165, %add3A_166 : i32
      %get3A_168 = arith.constant 0 : i32
      %get3A_169 = arith.index_cast %get3A_168 : i32 to index
      %get3A_170 = arith.index_cast %add3A_167 : i32 to index
      %get3A_171 = tpu.vector_load %arg6[%get3A_169, %get3A_170] {strides = array<i32>} : memref<2x3328xi32, #tpu.memory_space<vmem>>, vector<1x16xi32>,
      %get3A_172 = vector.shape_cast %get3A_171 : vector<1x16xi32> to vector<16xi32>
      %add3A_173 = arith.constant 6656 : i32
      %add3A_174 = arith.addi %add3A_173, %add3A_167 : i32
      %swap3A_175 = arith.index_cast %add3A_174 : i32 to index
      %swap3A_176 = tpu.vector_load %arg7[%swap3A_175] {strides = array<i32>} : memref<10496xi32, #tpu.memory_space<vmem>>, vector<16xi32>,
      %swap3A_177 = vector.shape_cast %swap3A_176 : vector<16xi32> to vector<16xi32>
      %swap3A_178 = vector.shape_cast %get3A_172 : vector<16xi32> to vector<16xi32>
      tpu.vector_store %arg7[%swap3A_175], %swap3A_178 {strides = array<i32>} : memref<10496xi32, #tpu.memory_space<vmem>>, vector<16xi32>,
      %mul3A_179 = arith.constant 128 : i32
      %mul3A_180 = arith.muli %scan3A_120, %mul3A_179 : i32
      %add3A_181 = arith.constant 64 : i32
      %add3A_182 = arith.addi %mul3A_180, %add3A_181 : i32
      %get3A_183 = arith.constant 0 : i32
      %get3A_184 = arith.index_cast %get3A_183 : i32 to index
      %get3A_185 = arith.index_cast %add3A_182 : i32 to index
      %get3A_186 = tpu.vector_load %arg6[%get3A_184, %get3A_185] {strides = array<i32>} : memref<2x3328xi32, #tpu.memory_space<vmem>>, vector<1x16xi32>,
      %get3A_187 = vector.shape_cast %get3A_186 : vector<1x16xi32> to vector<16xi32>
      %add3A_188 = arith.constant 6656 : i32
      %add3A_189 = arith.addi %add3A_188, %add3A_182 : i32
      %swap3A_190 = arith.index_cast %add3A_189 : i32 to index
      %swap3A_191 = tpu.vector_load %arg7[%swap3A_190] {strides = array<i32>} : memref<10496xi32, #tpu.memory_space<vmem>>, vector<16xi32>,
      %swap3A_192 = vector.shape_cast %swap3A_191 : vector<16xi32> to vector<16xi32>
      %swap3A_193 = vector.shape_cast %get3A_187 : vector<16xi32> to vector<16xi32>
      tpu.vector_store %arg7[%swap3A_190], %swap3A_193 {strides = array<i32>} : memref<10496xi32, #tpu.memory_space<vmem>>, vector<16xi32>,
      %mul3A_194 = arith.constant 128 : i32
      %mul3A_195 = arith.muli %scan3A_120, %mul3A_194 : i32
      %add3A_196 = arith.constant 80 : i32
      %add3A_197 = arith.addi %mul3A_195, %add3A_196 : i32
      %get3A_198 = arith.constant 0 : i32
      %get3A_199 = arith.index_cast %get3A_198 : i32 to index
      %get3A_200 = arith.index_cast %add3A_197 : i32 to index
      %get3A_201 = tpu.vector_load %arg6[%get3A_199, %get3A_200] {strides = array<i32>} : memref<2x3328xi32, #tpu.memory_space<vmem>>, vector<1x16xi32>,
      %get3A_202 = vector.shape_cast %get3A_201 : vector<1x16xi32> to vector<16xi32>
      %add3A_203 = arith.constant 6656 : i32
      %add3A_204 = arith.addi %add3A_203, %add3A_197 : i32
      %swap3A_205 = arith.index_cast %add3A_204 : i32 to index
      %swap3A_206 = tpu.vector_load %arg7[%swap3A_205] {strides = array<i32>} : memref<10496xi32, #tpu.memory_space<vmem>>, vector<16xi32>,
      %swap3A_207 = vector.shape_cast %swap3A_206 : vector<16xi32> to vector<16xi32>
      %swap3A_208 = vector.shape_cast %get3A_202 : vector<16xi32> to vector<16xi32>
      tpu.vector_store %arg7[%swap3A_205], %swap3A_208 {strides = array<i32>} : memref<10496xi32, #tpu.memory_space<vmem>>, vector<16xi32>,
      %mul3A_209 = arith.constant 128 : i32
      %mul3A_210 = arith.muli %scan3A_120, %mul3A_209 : i32
      %add3A_211 = arith.constant 96 : i32
      %add3A_212 = arith.addi %mul3A_210, %add3A_211 : i32
      %get3A_213 = arith.constant 0 : i32
      %get3A_214 = arith.index_cast %get3A_213 : i32 to index
      %get3A_215 = arith.index_cast %add3A_212 : i32 to index
      %get3A_216 = tpu.vector_load %arg6[%get3A_214, %get3A_215] {strides = array<i32>} : memref<2x3328xi32, #tpu.memory_space<vmem>>, vector<1x16xi32>,
      %get3A_217 = vector.shape_cast %get3A_216 : vector<1x16xi32> to vector<16xi32>
      %add3A_218 = arith.constant 6656 : i32
      %add3A_219 = arith.addi %add3A_218, %add3A_212 : i32
      %swap3A_220 = arith.index_cast %add3A_219 : i32 to index
      %swap3A_221 = tpu.vector_load %arg7[%swap3A_220] {strides = array<i32>} : memref<10496xi32, #tpu.memory_space<vmem>>, vector<16xi32>,
      %swap3A_222 = vector.shape_cast %swap3A_221 : vector<16xi32> to vector<16xi32>
      %swap3A_223 = vector.shape_cast %get3A_217 : vector<16xi32> to vector<16xi32>
      tpu.vector_store %arg7[%swap3A_220], %swap3A_223 {strides = array<i32>} : memref<10496xi32, #tpu.memory_space<vmem>>, vector<16xi32>,
      %mul3A_224 = arith.constant 128 : i32
      %mul3A_225 = arith.muli %scan3A_120, %mul3A_224 : i32
      %add3A_226 = arith.constant 112 : i32
      %add3A_227 = arith.addi %mul3A_225, %add3A_226 : i32
      %get3A_228 = arith.constant 0 : i32
      %get3A_229 = arith.index_cast %get3A_228 : i32 to index
      %get3A_230 = arith.index_cast %add3A_227 : i32 to index
      %get3A_231 = tpu.vector_load %arg6[%get3A_229, %get3A_230] {strides = array<i32>} : memref<2x3328xi32, #tpu.memory_space<vmem>>, vector<1x16xi32>,
      %get3A_232 = vector.shape_cast %get3A_231 : vector<1x16xi32> to vector<16xi32>
      %add3A_233 = arith.constant 6656 : i32
      %add3A_234 = arith.addi %add3A_233, %add3A_227 : i32
      %swap3A_235 = arith.index_cast %add3A_234 : i32 to index
      %swap3A_236 = tpu.vector_load %arg7[%swap3A_235] {strides = array<i32>} : memref<10496xi32, #tpu.memory_space<vmem>>, vector<16xi32>,
      %swap3A_237 = vector.shape_cast %swap3A_236 : vector<16xi32> to vector<16xi32>
      %swap3A_238 = vector.shape_cast %get3A_232 : vector<16xi32> to vector<16xi32>
      tpu.vector_store %arg7[%swap3A_235], %swap3A_238 {strides = array<i32>} : memref<10496xi32, #tpu.memory_space<vmem>>, vector<16xi32>,
    }
    %scan3A_91 = arith.constant 26 : i32
    %dma_start3A_92 = arith.constant 6656 : i32
    %dma_start3A_93 = tpu.memref_slice %arg7[%dma_start3A_92] : memref<10496xi32, #tpu.memory_space<vmem>> -> memref<128xi32, #tpu.memory_space<vmem>>
    %dma_start3A_94 = arith.constant 0 : i32
    %dma_start3A_95 = arith.constant 0 : i32
    %dma_start3A_96 = tpu.memref_slice %arg5[%dma_start3A_94, %dma_start3A_95] : memref<10000x128xf32, #tpu.memory_space<vmem_shared>> -> memref<10000x128xf32, #tpu.memory_space<vmem_shared>>
    tpu.enqueue_indirect_dma source(%dma_start3A_96 : memref<10000x128xf32, #tpu.memory_space<vmem_shared>>) target(%arg8 : memref<128x128xf32, #tpu.memory_space<vmem>>) offsets(%dma_start3A_93 : memref<128xi32, #tpu.memory_space<vmem>>) semaphore(%arg10 : memref<!tpu.dma_semaphore, #tpu.memory_space<semaphore_mem>>)
    %add3A_97 = arith.constant 6528 : i32
    %add3A_98 = arith.addi %mul3A_2, %add3A_97 : i32
    %dma_wait3A_99 = arith.constant 0 : i32
    %dma_wait3A_100 = tpu.memref_slice %arg4[%add3A_98, %dma_wait3A_99] : memref<320000x128xf32, #tpu.memory_space<hbm>> -> memref<128x128xf32, #tpu.memory_space<hbm>>
    %dma_wait3A_101 = arith.constant 0 : i32
    %dma_wait3A_102 = tpu.memref_slice %arg4[%add3A_98, %dma_wait3A_101] : memref<320000x128xf32, #tpu.memory_space<hbm>> -> memref<128x128xf32, #tpu.memory_space<hbm>>
    tpu.wait_dma2 semaphore(%arg13 : memref<!tpu.dma_semaphore, #tpu.memory_space<semaphore_mem>>) src(%arg9 : memref<128x128xf32, #tpu.memory_space<vmem>>) dst(%dma_wait3A_102 : memref<128x128xf32, #tpu.memory_space<hbm>>)
    %scan3A_103 = arith.constant 0 : i32
    %scan3A_104 = arith.constant 0 : i32
    %scan3A_105 = arith.constant 13 : i32
    %scan3A_106 = arith.addi %scan3A_104, %scan3A_105 : i32
    %scan3A_107 = arith.constant 1 : i32
    scf.for %scan3A_120 = %scan3A_104 to %scan3A_106 step %scan3A_107  : i32 {
      %mul3A_121 = arith.constant 2 : i32
      %mul3A_122 = arith.muli %mul3A_121, %scan3A_120 : i32
      %add3A_123 = arith.constant 52 : i32
      %add3A_124 = arith.addi %add3A_123, %mul3A_122 : i32
      %mul3A_125 = arith.constant 128 : i32
      %mul3A_126 = arith.muli %add3A_124, %mul3A_125 : i32
      %dma_wait3A_127 = tpu.memref_slice %arg7[%mul3A_126] : memref<10496xi32, #tpu.memory_space<vmem>> -> memref<128xi32, #tpu.memory_space<vmem>>
      %dma_wait3A_128 = arith.constant 0 : i32
      %dma_wait3A_129 = arith.constant 0 : i32
      %dma_wait3A_130 = tpu.memref_slice %arg5[%dma_wait3A_128, %dma_wait3A_129] : memref<10000x128xf32, #tpu.memory_space<vmem_shared>> -> memref<10000x128xf32, #tpu.memory_space<vmem_shared>>
      tpu.wait_indirect_dma semaphore(%arg10 : memref<!tpu.dma_semaphore, #tpu.memory_space<semaphore_mem>>) src(%dma_wait3A_130 : memref<10000x128xf32, #tpu.memory_space<vmem_shared>>) dst(%arg8 : memref<128x128xf32, #tpu.memory_space<vmem>>)
      %mul3A_131 = arith.constant 128 : i32
      %mul3A_132 = arith.muli %add3A_124, %mul3A_131 : i32
      %add3A_133 = arith.addi %mul3A_2, %mul3A_132 : i32
      %dma_start3A_134 = arith.constant 0 : i32
      %dma_start3A_135 = tpu.memref_slice %arg4[%add3A_133, %dma_start3A_134] : memref<320000x128xf32, #tpu.memory_space<hbm>> -> memref<128x128xf32, #tpu.memory_space<hbm>>
      %dma_start3A_136 = arith.constant 0 : i32
      %dma_start3A_137 = tpu.memref_slice %arg4[%add3A_133, %dma_start3A_136] : memref<320000x128xf32, #tpu.memory_space<hbm>> -> memref<128x128xf32, #tpu.memory_space<hbm>>
      tpu.enqueue_dma source(%arg8 : memref<128x128xf32, #tpu.memory_space<vmem>>) target(%dma_start3A_137 : memref<128x128xf32, #tpu.memory_space<hbm>>) target_semaphore(%arg12 : memref<!tpu.dma_semaphore, #tpu.memory_space<semaphore_mem>>)
      %gt3A = arith.constant 0 : i32
      %gt3A_138 = arith.cmpi sgt, %scan3A_120, %gt3A : i32
      %convert_element_type3A_139 = arith.extui %gt3A_138 : i1 to i32
      %cond3A_140 = arith.constant 0 : i32
      %cond3A_141 = arith.cmpi ne, %convert_element_type3A_139, %cond3A_140 : i32
      scf.if %cond3A_141 {
        %sub3A = arith.constant 1 : i32
        %sub3A_179 = arith.subi %add3A_124, %sub3A : i32
        %mul3A_180 = arith.constant 128 : i32
        %mul3A_181 = arith.muli %sub3A_179, %mul3A_180 : i32
        %add3A_182 = arith.addi %mul3A_2, %mul3A_181 : i32
        %dma_wait3A_183 = arith.constant 0 : i32
        %dma_wait3A_184 = tpu.memref_slice %arg4[%add3A_182, %dma_wait3A_183] : memref<320000x128xf32, #tpu.memory_space<hbm>> -> memref<128x128xf32, #tpu.memory_space<hbm>>
        %dma_wait3A_185 = arith.constant 0 : i32
        %dma_wait3A_186 = tpu.memref_slice %arg4[%add3A_182, %dma_wait3A_185] : memref<320000x128xf32, #tpu.memory_space<hbm>> -> memref<128x128xf32, #tpu.memory_space<hbm>>
        tpu.wait_dma2 semaphore(%arg13 : memref<!tpu.dma_semaphore, #tpu.memory_space<semaphore_mem>>) src(%arg9 : memref<128x128xf32, #tpu.memory_space<vmem>>) dst(%dma_wait3A_186 : memref<128x128xf32, #tpu.memory_space<hbm>>)
      } else {
      }
      %add3A_142 = arith.constant 1 : i32
      %add3A_143 = arith.addi %add3A_124, %add3A_142 : i32
      %mul3A_144 = arith.constant 128 : i32
      %mul3A_145 = arith.muli %add3A_143, %mul3A_144 : i32
      %dma_start3A_146 = tpu.memref_slice %arg7[%mul3A_145] : memref<10496xi32, #tpu.memory_space<vmem>> -> memref<128xi32, #tpu.memory_space<vmem>>
      %dma_start3A_147 = arith.constant 0 : i32
      %dma_start3A_148 = arith.constant 0 : i32
      %dma_start3A_149 = tpu.memref_slice %arg5[%dma_start3A_147, %dma_start3A_148] : memref<10000x128xf32, #tpu.memory_space<vmem_shared>> -> memref<10000x128xf32, #tpu.memory_space<vmem_shared>>
      tpu.enqueue_indirect_dma source(%dma_start3A_149 : memref<10000x128xf32, #tpu.memory_space<vmem_shared>>) target(%arg9 : memref<128x128xf32, #tpu.memory_space<vmem>>) offsets(%dma_start3A_146 : memref<128xi32, #tpu.memory_space<vmem>>) semaphore(%arg11 : memref<!tpu.dma_semaphore, #tpu.memory_space<semaphore_mem>>)
      %add3A_150 = arith.constant 1 : i32
      %add3A_151 = arith.addi %add3A_124, %add3A_150 : i32
      %mul3A_152 = arith.constant 128 : i32
      %mul3A_153 = arith.muli %add3A_151, %mul3A_152 : i32
      %dma_wait3A_154 = tpu.memref_slice %arg7[%mul3A_153] : memref<10496xi32, #tpu.memory_space<vmem>> -> memref<128xi32, #tpu.memory_space<vmem>>
      %dma_wait3A_155 = arith.constant 0 : i32
      %dma_wait3A_156 = arith.constant 0 : i32
      %dma_wait3A_157 = tpu.memref_slice %arg5[%dma_wait3A_155, %dma_wait3A_156] : memref<10000x128xf32, #tpu.memory_space<vmem_shared>> -> memref<10000x128xf32, #tpu.memory_space<vmem_shared>>
      tpu.wait_indirect_dma semaphore(%arg11 : memref<!tpu.dma_semaphore, #tpu.memory_space<semaphore_mem>>) src(%dma_wait3A_157 : memref<10000x128xf32, #tpu.memory_space<vmem_shared>>) dst(%arg9 : memref<128x128xf32, #tpu.memory_space<vmem>>)
      %add3A_158 = arith.constant 1 : i32
      %add3A_159 = arith.addi %add3A_124, %add3A_158 : i32
      %mul3A_160 = arith.constant 128 : i32
      %mul3A_161 = arith.muli %add3A_159, %mul3A_160 : i32
      %add3A_162 = arith.addi %mul3A_2, %mul3A_161 : i32
      %dma_start3A_163 = arith.constant 0 : i32
      %dma_start3A_164 = tpu.memref_slice %arg4[%add3A_162, %dma_start3A_163] : memref<320000x128xf32, #tpu.memory_space<hbm>> -> memref<128x128xf32, #tpu.memory_space<hbm>>
      %dma_start3A_165 = arith.constant 0 : i32
      %dma_start3A_166 = tpu.memref_slice %arg4[%add3A_162, %dma_start3A_165] : memref<320000x128xf32, #tpu.memory_space<hbm>> -> memref<128x128xf32, #tpu.memory_space<hbm>>
      tpu.enqueue_dma source(%arg9 : memref<128x128xf32, #tpu.memory_space<vmem>>) target(%dma_start3A_166 : memref<128x128xf32, #tpu.memory_space<hbm>>) target_semaphore(%arg13 : memref<!tpu.dma_semaphore, #tpu.memory_space<semaphore_mem>>)
      %mul3A_167 = arith.constant 128 : i32
      %mul3A_168 = arith.muli %add3A_124, %mul3A_167 : i32
      %add3A_169 = arith.addi %mul3A_2, %mul3A_168 : i32
      %dma_wait3A_170 = arith.constant 0 : i32
      %dma_wait3A_171 = tpu.memref_slice %arg4[%add3A_169, %dma_wait3A_170] : memref<320000x128xf32, #tpu.memory_space<hbm>> -> memref<128x128xf32, #tpu.memory_space<hbm>>
      %dma_wait3A_172 = arith.constant 0 : i32
      %dma_wait3A_173 = tpu.memref_slice %arg4[%add3A_169, %dma_wait3A_172] : memref<320000x128xf32, #tpu.memory_space<hbm>> -> memref<128x128xf32, #tpu.memory_space<hbm>>
      tpu.wait_dma2 semaphore(%arg12 : memref<!tpu.dma_semaphore, #tpu.memory_space<semaphore_mem>>) src(%arg8 : memref<128x128xf32, #tpu.memory_space<vmem>>) dst(%dma_wait3A_173 : memref<128x128xf32, #tpu.memory_space<hbm>>)
      %lt3A_174 = arith.constant 12 : i32
      %lt3A_175 = arith.cmpi slt, %scan3A_120, %lt3A_174 : i32
      %convert_element_type3A_176 = arith.extui %lt3A_175 : i1 to i32
      %cond3A_177 = arith.constant 0 : i32
      %cond3A_178 = arith.cmpi ne, %convert_element_type3A_176, %cond3A_177 : i32
      scf.if %cond3A_178 {
        %add3A_179 = arith.constant 2 : i32
        %add3A_180 = arith.addi %add3A_124, %add3A_179 : i32
        %mul3A_181 = arith.constant 128 : i32
        %mul3A_182 = arith.muli %add3A_180, %mul3A_181 : i32
        %dma_start3A_183 = tpu.memref_slice %arg7[%mul3A_182] : memref<10496xi32, #tpu.memory_space<vmem>> -> memref<128xi32, #tpu.memory_space<vmem>>
        %dma_start3A_184 = arith.constant 0 : i32
        %dma_start3A_185 = arith.constant 0 : i32
        %dma_start3A_186 = tpu.memref_slice %arg5[%dma_start3A_184, %dma_start3A_185] : memref<10000x128xf32, #tpu.memory_space<vmem_shared>> -> memref<10000x128xf32, #tpu.memory_space<vmem_shared>>
        tpu.enqueue_indirect_dma source(%dma_start3A_186 : memref<10000x128xf32, #tpu.memory_space<vmem_shared>>) target(%arg8 : memref<128x128xf32, #tpu.memory_space<vmem>>) offsets(%dma_start3A_183 : memref<128xi32, #tpu.memory_space<vmem>>) semaphore(%arg10 : memref<!tpu.dma_semaphore, #tpu.memory_space<semaphore_mem>>)
      } else {
      }
    }
    %scan3A_108 = arith.constant 13 : i32
    %add3A_109 = arith.constant 9856 : i32
    %add3A_110 = arith.addi %mul3A_2, %add3A_109 : i32
    %dma_wait3A_111 = arith.constant 0 : i32
    %dma_wait3A_112 = tpu.memref_slice %arg4[%add3A_110, %dma_wait3A_111] : memref<320000x128xf32, #tpu.memory_space<hbm>> -> memref<128x128xf32, #tpu.memory_space<hbm>>
    %dma_wait3A_113 = arith.constant 0 : i32
    %dma_wait3A_114 = tpu.memref_slice %arg4[%add3A_110, %dma_wait3A_113] : memref<320000x128xf32, #tpu.memory_space<hbm>> -> memref<128x128xf32, #tpu.memory_space<hbm>>
    tpu.wait_dma2 semaphore(%arg13 : memref<!tpu.dma_semaphore, #tpu.memory_space<semaphore_mem>>) src(%arg9 : memref<128x128xf32, #tpu.memory_space<vmem>>) dst(%dma_wait3A_114 : memref<128x128xf32, #tpu.memory_space<hbm>>)
    %lt3A_115 = arith.constant 4 : i32
    %lt3A_116 = arith.cmpi slt, %add3A, %lt3A_115 : i32
    %convert_element_type3A_117 = arith.extui %lt3A_116 : i1 to i32
    %cond3A_118 = arith.constant 0 : i32
    %cond3A_119 = arith.cmpi ne, %convert_element_type3A_117, %cond3A_118 : i32
    scf.if %cond3A_119 {
      %mul3A_120 = arith.constant 128 : i32
      %mul3A_121 = arith.muli %add3A, %mul3A_120 : i32
      %add3A_122 = arith.constant 9984 : i32
      %add3A_123 = arith.addi %add3A_122, %mul3A_121 : i32
      %dma_start3A_124 = tpu.memref_slice %arg7[%add3A_123] : memref<10496xi32, #tpu.memory_space<vmem>> -> memref<128xi32, #tpu.memory_space<vmem>>
      %dma_start3A_125 = arith.constant 0 : i32
      %dma_start3A_126 = arith.constant 0 : i32
      %dma_start3A_127 = tpu.memref_slice %arg5[%dma_start3A_125, %dma_start3A_126] : memref<10000x128xf32, #tpu.memory_space<vmem_shared>> -> memref<10000x128xf32, #tpu.memory_space<vmem_shared>>
      tpu.enqueue_indirect_dma source(%dma_start3A_127 : memref<10000x128xf32, #tpu.memory_space<vmem_shared>>) target(%arg8 : memref<128x128xf32, #tpu.memory_space<vmem>>) offsets(%dma_start3A_124 : memref<128xi32, #tpu.memory_space<vmem>>) semaphore(%arg10 : memref<!tpu.dma_semaphore, #tpu.memory_space<semaphore_mem>>)
      %dma_wait3A_128 = tpu.memref_slice %arg7[%add3A_123] : memref<10496xi32, #tpu.memory_space<vmem>> -> memref<128xi32, #tpu.memory_space<vmem>>
      %dma_wait3A_129 = arith.constant 0 : i32
      %dma_wait3A_130 = arith.constant 0 : i32
      %dma_wait3A_131 = tpu.memref_slice %arg5[%dma_wait3A_129, %dma_wait3A_130] : memref<10000x128xf32, #tpu.memory_space<vmem_shared>> -> memref<10000x128xf32, #tpu.memory_space<vmem_shared>>
      tpu.wait_indirect_dma semaphore(%arg10 : memref<!tpu.dma_semaphore, #tpu.memory_space<semaphore_mem>>) src(%dma_wait3A_131 : memref<10000x128xf32, #tpu.memory_space<vmem_shared>>) dst(%arg8 : memref<128x128xf32, #tpu.memory_space<vmem>>)
      %mul3A_132 = arith.constant 128 : i32
      %mul3A_133 = arith.muli %add3A, %mul3A_132 : i32
      %add3A_134 = arith.constant 319488 : i32
      %add3A_135 = arith.addi %add3A_134, %mul3A_133 : i32
      "tpu.region"() ({
        %run_scoped3A = tpu.sem_alloc : memref<!tpu.dma_semaphore, #tpu.memory_space<semaphore_mem>>
        %dma_start3A_136 = arith.constant 0 : i32
        %dma_start3A_137 = tpu.memref_slice %arg4[%add3A_135, %dma_start3A_136] : memref<320000x128xf32, #tpu.memory_space<hbm>> -> memref<128x128xf32, #tpu.memory_space<hbm>>
        %dma_start3A_138 = arith.constant 0 : i32
        %dma_start3A_139 = tpu.memref_slice %arg4[%add3A_135, %dma_start3A_138] : memref<320000x128xf32, #tpu.memory_space<hbm>> -> memref<128x128xf32, #tpu.memory_space<hbm>>
        tpu.enqueue_dma source(%arg8 : memref<128x128xf32, #tpu.memory_space<vmem>>) target(%dma_start3A_139 : memref<128x128xf32, #tpu.memory_space<hbm>>) target_semaphore(%run_scoped3A : memref<!tpu.dma_semaphore, #tpu.memory_space<semaphore_mem>>)
        %dma_wait3A_140 = arith.constant 0 : i32
        %dma_wait3A_141 = tpu.memref_slice %arg4[%add3A_135, %dma_wait3A_140] : memref<320000x128xf32, #tpu.memory_space<hbm>> -> memref<128x128xf32, #tpu.memory_space<hbm>>
        %dma_wait3A_142 = arith.constant 0 : i32
        %dma_wait3A_143 = tpu.memref_slice %arg4[%add3A_135, %dma_wait3A_142] : memref<320000x128xf32, #tpu.memory_space<hbm>> -> memref<128x128xf32, #tpu.memory_space<hbm>>
        tpu.wait_dma2 semaphore(%run_scoped3A : memref<!tpu.dma_semaphore, #tpu.memory_space<semaphore_mem>>) src(%arg8 : memref<128x128xf32, #tpu.memory_space<vmem>>) dst(%dma_wait3A_143 : memref<128x128xf32, #tpu.memory_space<hbm>>)
        tpu.yield
      }) : () -> ()
    } else {
    }
    return
  }
}

</mosaic_0001>

<sc_bundles>
// kernel: _gather.3.cloned.1.call-start
scs
__scs_entry_jumppad:
0x0: {  	(pc) =	sbr.rel $0x88, $3  }
0x1: {  	(tag) =	ssettag $0x0;
	lr =	simm.s32 $0x1  }
0x2: {  	[smem:$0x3F9F] =	sst lr;
	_ =	strace $0xD0000000  }
0x3: {  	_ = 	snop  }
0x4: {  	_ = 	snop  }
0x5: {  	_ = 	snop  }
0x6: {  	_ = 	snop  }
0x7: {  	_ = 	snop  }
__scs_overlays_trampoline_lowered:
0x8: {  	[smem:$0x3FAE] =	sst s0  }
0x9: {  	[smem:$0x3FAF] =	sst s1  }
0xa: {  	[smem:$0x3FB0] =	sst s2  }
0xb: {  	[smem:$0x3FB1] =	sst s3  }
0xc: {  	[smem:$0x3FB2] =	sst s4  }
0xd: {  	[smem:$0x3FB3] =	sst s5  }
0xe: {  	[smem:$0x3FB4] =	sst s6  }
0xf: {  	[smem:$0x3FB5] =	sst s7  }
0x10: {  	[smem:$0x3FB6] =	sst s8  }
0x11: {  	[smem:$0x3FB7] =	sst s9;
	s0 =	simm.s32 @!p0 $0x0  }
0x12: {  	s1 =	sld [smem:$0x3F9D];
	s0 =	simm.s32 @p0 $0x1  }
0x13: {  	[smem:$0x3FB8] =	sst s0;
	s0 =	simm.s32 @!p1 $0x0  }
0x14: {  	s2 =	sld [smem:$0x3F9C];
	s0 =	simm.s32 @p1 $0x1  }
0x15: {  	[smem:$0x3FB9] =	sst s0;
	s0 =	simm.s32 @!p2 $0x0  }
0x16: {  	s3 =	sld [smem:$0x3FDB];
	s0 =	simm.s32 @p2 $0x1  }
0x17: {  	s4 =	simm.s32 $0x1BF5;
	[smem:$0x3FBB] =	sst s0  }
0x18: {  	s0 =	sld [smem:$0x3F9E];
	_ =	swait.ge [sflag:s4], $0x0  }
0x19: {  	s7 =	sld [smem:$0x3F9F]  }
0x1a: {  	s8 =	sadd.s32 $0xFFFFE003, lr  }
0x1b: {  	s9 =	sadd.s32 $0xFFFFFEF7, lr;
	s5 =	simm.s32 $0xFFFFFFFF;
	p2 =	slt.u32 s8, $0xFFFFF086  }
0x1c: {  	p1 =	slt.u32 s9, $0xF7A;
	s5 =	simm.s32 @!p2 $0x0  }
0x1d: {  	s5 =	simm.s32 @p1 $0x1;
	p0 =	seq.s32 s7, s2  }
0x1e: {  	s7 =	smul.u32 @!p0 $0xF7A, s2;
	p2 =	seq.s32 @!p0 s5, $0x0  }
0x1f: {  	s9 =	smul.u32 $0xF7A, s1;
	s8 =	simm.s32 @!p0 $0x1BF5;
	p2 =	por !p2, p0  }
0x20: {  	[sflag:s8] =	ssyncset.s32 @!p0 $0xFFFFF086;
	s6 =	sadd.s32 @!p0 s3, s7;
	s7 =	simm.s32 @!p0 $0x108  }
0x21: {  	s3 =	sadd.s32 s3, s9;
	s6 =	sadd.s32 @!p0 $0x88, s6;
	s7 =	simm.s32 @p2 $0x1082  }
0x22: {  	[simem:s7], [sflag:s8] =	dma.local @!p0 [hbm:s6], $0xF7A  }
0x23: {  	s9 =	sor.u32 $0xD0000000, s2;
	s6 =	simm.s32 $0x108;
	_ =	swait.ge @!p0 [sflag:s8], $0x0  }
0x24: {  	s3 =	sadd.s32 $0x88, s3;
	s6 =	simm.s32 @!p1 $0x1082;
	[sflag:s4] =	ssyncset.s32 $0xFFFFF086  }
0x25: {  	[simem:s6], [sflag:s4] =	dma.local [hbm:s3], $0xF7A  }
0x26: {  	[smem:$0x3F9F] =	sst s1;
	(tag) =	ssettag s2;
	_ =	strace s9  }
0x27: {  	s1 =	sld [smem:$0x3FAF]  }
0x28: {  	s2 =	sld [smem:$0x3FB0]  }
0x29: {  	s4 =	sld [smem:$0x3FB2]  }
0x2a: {  	p0 =	seq.s32 s5, $0x0;
	s5 =	sld [smem:$0x3FB3]  }
0x2b: {  	s6 =	sld [smem:$0x3FB4]  }
0x2c: {  	s7 =	sld [smem:$0x3FB5]  }
0x2d: {  	s3 =	simm.s32 $0x108;
	s8 =	sld [smem:$0x3FB6]  }
0x2e: {  	s3 =	simm.s32 @!p0 $0x1082;
	s9 =	sld [smem:$0x3FB7]  }
0x2f: {  	lr =	sadd.s32 s0, s3;
	s0 =	sld [smem:$0x3FAE]  }
0x30: {  	s3 =	sld [smem:$0x3FB1]  }
0x31: {  	[smem:$0x3FBA] =	sst s10  }
0x32: {  	s10 =	sld [smem:$0x3FB8];
	_ =	sdelay $0x3  }
0x33: {  	p0 =	seq.s32 s10, $0x1;
	s10 =	sld [smem:$0x3FBA];
	_ =	sdelay $0x3  }
0x34: {  	[smem:$0x3FBA] =	sst s10  }
0x35: {  	s10 =	sld [smem:$0x3FB9];
	_ =	sdelay $0x3  }
0x36: {  	p1 =	seq.s32 s10, $0x1;
	s10 =	sld [smem:$0x3FBA];
	_ =	sdelay $0x3  }
0x37: {  	[smem:$0x3FBA] =	sst s10  }
0x38: {  	s10 =	sld [smem:$0x3FBB]  }
0x39: {  	_ = 	snop;
	(pc) =	sbr.ind lr, $3  }
0x3a: {  	_ = 	snop  }
0x3b: {  	_ = 	snop  }
0x3c: {  	p2 =	seq.s32 s10, $0x1;
	s10 =	sld [smem:$0x3FBA]  }
0x3d: {  	_ =	shalt  }
0x3e: {  	_ =	shalt  }
0x3f: {  	_ =	shalt  }
0x40: {  	_ =	shalt  }
0x41: {  	_ =	shalt  }
0x42: {  	_ =	shalt  }
0x43: {  	_ =	shalt  }
0x44: {  	_ =	shalt  }
0x45: {  	_ =	shalt  }
0x46: {  	_ =	shalt  }
0x47: {  	_ =	shalt  }
0x48: {  	_ =	shalt  }
0x49: {  	_ =	shalt  }
0x4a: {  	_ =	shalt  }
0x4b: {  	_ =	shalt  }
0x4c: {  	_ =	shalt  }
0x4d: {  	_ =	shalt  }
0x4e: {  	_ =	shalt  }
0x4f: {  	_ =	shalt  }
0x50: {  	_ =	shalt  }
0x51: {  	_ =	shalt  }
0x52: {  	_ =	shalt  }
0x53: {  	_ =	shalt  }
0x54: {  	_ =	shalt  }
0x55: {  	_ =	shalt  }
0x56: {  	_ =	shalt  }
0x57: {  	_ =	shalt  }
0x58: {  	_ =	shalt  }
0x59: {  	_ =	shalt  }
0x5a: {  	_ =	shalt  }
0x5b: {  	_ =	shalt  }
0x5c: {  	_ =	shalt  }
0x5d: {  	_ =	shalt  }
0x5e: {  	_ =	shalt  }
0x5f: {  	_ =	shalt  }
0x60: {  	_ =	shalt  }
0x61: {  	_ =	shalt  }
0x62: {  	_ =	shalt  }
0x63: {  	_ =	shalt  }
0x64: {  	_ =	shalt  }
0x65: {  	_ =	shalt  }
0x66: {  	_ =	shalt  }
0x67: {  	_ =	shalt  }
0x68: {  	_ =	shalt  }
0x69: {  	_ =	shalt  }
0x6a: {  	_ =	shalt  }
0x6b: {  	_ =	shalt  }
0x6c: {  	_ =	shalt  }
0x6d: {  	_ =	shalt  }
0x6e: {  	_ =	shalt  }
0x6f: {  	_ =	shalt  }
0x70: {  	_ =	shalt  }
0x71: {  	_ =	shalt  }
0x72: {  	_ =	shalt  }
0x73: {  	_ =	shalt  }
0x74: {  	_ =	shalt  }
0x75: {  	_ =	shalt  }
0x76: {  	_ =	shalt  }
0x77: {  	_ =	shalt  }
0x78: {  	_ =	shalt  }
0x79: {  	_ =	shalt  }
0x7a: {  	_ =	shalt  }
0x7b: {  	_ =	shalt  }
0x7c: {  	_ =	shalt  }
0x7d: {  	_ =	shalt  }
0x7e: {  	_ =	shalt  }
0x7f: {  	_ =	shalt  }
0x80: {  	_ =	shalt  }
0x81: {  	_ =	shalt  }
0x82: {  	_ =	shalt  }
0x83: {  	_ =	shalt  }
0x84: {  	_ =	shalt  }
0x85: {  	_ =	shalt  }
0x86: {  	_ =	shalt  }
0x87: {  	_ =	shalt  }
.Lfunc_end0:
.L_simem_size_0:
called_computation_lowered:
.L_overlay_start_0:
0x88: {  	s2 =	sld [smem:$0x3FD9]  }
0x89: {  	s3 =	sld [smem:$0x3FFE];
	_ =	sdelay $0x1  }
0x8a: {  	s1 =	srdreg.scid  }
0x8b: {  	s0 =	sand.u32 $0x1, s1  }
0x8c: {  	s18 =	sshll.u32 s0, $0xA;
	s2 =	sadd.s32 s3, s2  }
0x8d: {  	s2 =	sadd.s32 s2, s18  }
0x8e: {  	[smem:$0x3FC6] =	sst s2  }
0x8f: {  	_ = 	snop  }
0x90: {  	s2 =	sld [smem:$0x3FC9]  }
0x91: {  	s19 =	sld [smem:$0x3FC8]  }
0x92: {  	s4 =	sld [smem:$0x3FD0];
	(tm) =	ssettm $0x1  }
0x93: {  	s5 =	sld [smem:$0x3FFB];
	_ =	sdelay $0x3  }
0x94: {  	_ =	strace s5  }
0x95: {  	s5 =	sld [smem:$0x3FFC];
	_ =	sdelay $0x3  }
0x96: {  	_ =	strace s5  }
0x97: {  	s5 =	sld [smem:$0x3FFD];
	_ =	sdelay $0x3  }
0x98: {  	_ =	strace s5  }
0x99: {  	_ =	strace $0x8FFFFFFF  }
0x9a: {  	s20 =	sld [smem:$0x3FDB];
	_ =	sdelay $0x1  }
0x9b: {  	s6 =	simm.s32 $_scs_section_size  }
0x9c: {  	s7 =	simm.s32 $_size__tile_overlayer_lowered;
	s8 =	simm.s32 $_tile_overlayer_lowered  }
0x9d: {  	s23 =	simm.s32 $0x1BFF;
	s22 =	sshll.u32 s8, $0x1;
	s5 =	sadd.s32 s6, s20  }
0x9e: {  	s9 =	simm.s32 $0x0;
	s21 =	sshll.u32 s7, $0x1;
	s7 =	sadd.s32 s22, s5  }
0x9f: {  	[timem:s9], [sflag:s23] =	dma.local [hbm:s7], s21  }
0xa0: {  	_ =	swait.ge [sflag:s23], s21  }
0xa1: {  	s6 =	ssub.s32 $0x0, s21;
	[sflag:s23] =	ssyncset.done $0x0  }
0xa2: {  	[sflag:s23] =	ssyncadd.s32 s6;
	_ =	sdelay $0x1  }
0xa3: {  	s24 =	simm.s32 $0x1B8B  }
0xa4: {  	_ =	swait.ge [sflag:s24], $0x1  }
0xa5: {  	[sflag:s24] =	ssyncset.done $0x0  }
0xa6: {  	s25 =	simm.s32 $0x1B8E;
	[sflag:s24] =	ssyncadd.s32 $0xFFFFFFFF  }
0xa7: {  	s26 =	simm.s32 $execute0_lowered;
	[smem:$0x3FD2] =	sst s25  }
0xa8: {  	s6 =	sshll.u32 s26, $0x1;
	_ =	strace $0x80000046;
	[dreg:$0x1] =	wrdreg $0xFFFFFFFF  }
0xa9: {  	s28 =	simm.s32 $_size_execute0_lowered;
	s5 =	sadd.s32 s5, s6;
	[dreg:$0x0] =	wrdreg $0x0  }
0xaa: {  	s6 =	sshll.u32 s28, $0x1;
	[dreg:$0x2] =	wrdreg s5  }
0xab: {  	[dreg:$0x3] =	wrdreg s6  }
0xac: {  	[dreg:$0x4] =	wrdreg $0xC0  }
0xad: {  	_ =	task [dreg:s9], $0x5FFFF  }
0xae: {  	[dreg:$0x1] =	wrdreg $0xFFFFFFFF  }
0xaf: {  	[dreg:$0x0] =	wrdreg $0x60  }
0xb0: {  	[dreg:$0x2] =	wrdreg s2  }
0xb1: {  	[dreg:$0x3] =	wrdreg s19  }
0xb2: {  	[dreg:$0x4] =	wrdreg s4  }
0xb3: {  	[dreg:$0x5] =	wrdreg $0x0  }
0xb4: {  	[dreg:$0x6] =	wrdreg $0x9  }
0xb5: {  	_ =	task.clear_ibuf [dreg:s9], $0x7FFFF;
	_ =	strace $0x90000046  }
0xb6: {  	s29 =	simm.s32 $0x9;
	_ =	strace $0x80000048  }
0xb7: {  	_ =	swait.ge [sflag:s29], $0x1  }
0xb8: {  	[sflag:s29] =	ssyncadd.s32 $0xFFFFFFFF  }
0xb9: {  	_ =	strace $0x90000048  }
0xba: {  	_ =	sfence  }
0xbb: {  	s30 =	sld [smem:$0x0];
	_ =	sdelay $0x2  }
0xbc: {  	s31 =	sshll.u32 s1, $0xD;
	s1 =	sshrl.u32 s1, $0x2  }
0xbd: {  	s3 =	sand.u32 $0x4000, s31;
	s1 =	sadd.s32 s1, s30  }
0xbe: {  	s0 =	sor.u32 s3, s0;
	s1 =	sshll.u32 s1, $0x11  }
0xbf: {  	s0 =	sor.u32 s1, s0  }
0xc0: {  	s0 =	sadd.s32 $0x8F2B, s0  }
0xc1: {  	[sflag:s0] =	ssyncadd.remote.s32 $0x1  }
0xc2: {  	_ =	sfence.sel $0xFFFF  }
0xc3: {  	[dreg:$0x0] =	wrdreg $0xFFFFFFFF;
	(pc) =	sbr.abs _section_cstart, $3  }
0xc4: {  	[dreg:$0x1] =	wrdreg $0xFFFFFFFF  }
0xc5: {  	_ =	task.clear_ibuf [dreg:s9], $0x2FFFF;
	_ =	strace $0x9FFFFFFF  }
0xc6: {  	(tm) =	ssettm $0x7FFFFFFF  }
0xc7: {  	_ =	shalt  }
tec
execute0_lowered:
.L_overlay_start_1:
0x0: {  	(tag) =	ssettag $0x1  }
0x1: {  	s1 =	rddreg [dreg:$0x0]  }
0x2: {  	s4 =	rddreg [dreg:$0x1]  }
0x3: {  	s0 =	rddreg [dreg:$0x2]  }
0x4: {  	s3 =	srdreg.scid;
	s5 =	stileid.u32  }
0x5: {  	s2 =	rddreg [dreg:$0x3];
	s30 =	simm.s32 $0x80;
	s31 =	simm.s32 $0x1BB80  }
0x6: {  	s7 =	sand.u32 $0x1, s3;
	s18 =	sshll.u32 s5, $0x1;
	s11 =	smul.u32 $0x4E000, s5  }
0x7: {  	s3 =	simm.s32 $0x0;
	s19 =	smul.u32 $0x2700, s5;
	s21 =	sshll.u32 s5, $0x6  }
0x8: {  	s25 =	sadd.s32 $0x138000, s2;
	s16 =	sadd.s32 $0x27000, s4;
	s22 =	sadd.s32 $0x13800, s1  }
0x9: {  	p0 =	sne.s32 s5, $0x0;
	p1 =	sgt.u32 s5, $0x1;
	s13 =	smul.u32 $0x138000, s7  }
0xa: {  	s8 =	sor.u32 s7, s18;
	s6 =	ssub.s32 $0x2, s7;
	s7 =	smul.u32 $0x27000, s7  }
0xb: {  	[smem:$0x7FF] =	sst s3;
	s25 =	sshrl.u32 @!p0 s25, $0x3;
	s9 =	smul.u32 $0x9C0, s8  }
0xc: {  	s10 =	sshrl.u32 s6, $0x1;
	_ =	strace $0x80000047;
	s20 =	sshrl.u32 s11, $0x2  }
0xd: {  	s12 =	smul.u32 $0x4E00, s8;
	s15 =	sadd.s32 s4, s19;
	[dreg:$0x5] =	wrdreg s22  }
0xe: {  	s23 =	smul.u32 $0x138000, s8;
	s24 =	sshll.u32 s8, $0xB;
	s26 =	sshll.u32 s8, $0x7  }
0xf: {  	s8 =	smul.u32 $0x27000, s8;
	[dreg:$0xb] =	wrdreg s25;
	s10 =	ssub.s32 s6, s10  }
0x10: {  	s6 =	sor.u32 $0x1C06, s21;
	s19 =	sadd.s32 $0x17980, s26;
	s14 =	sadd.s32 s1, s9  }
0x11: {  	s9 =	sadd.s32 s20, s2;
	s12 =	sshrl.u32 s12, $0x3;
	s4 =	sshrl.u32 s23, $0x3  }
0x12: {  	s20 =	sadd.s32 s11, s0;
	s1 =	sadd.s32 s1, s12;
	s12 =	sadd.s32 s24, s0  }
0x13: {  	s24 =	smax.u32 s10, $0x1;
	s22 =	sadd.s32 s0, s4;
	s20 =	sadd.s32 s7, s20  }
0x14: {  	s7 =	simm.s32 $0x4;
	s17 =	sadd.s32 $0x340, s1;
	s18 =	sadd.s32 $0x680, s1  }
0x15: {  	s21 =	sadd.s32 $0x4E0000, s12;
	s12 =	smul.u32 $0x270000, s5;
	s1 =	sadd.s32 s0, s8  }
0x16: {  	s11 =	sadd.s32 $0xE000, s20;
	s8 =	simm.s32 $0x1;
	s23 =	sadd.s32 $0x800, s1  }
0x17: {  	s28 =	sadd.s32 $0xD000, s1;
	s26 =	sadd.s32 $0xD800, s1;
	s29 =	sadd.s32 $0x1A000, s1  }
.Ltmp0:
0x18: {  	s1 =	sadd.s32 $0x1A800, s1;
	[dreg:$0x8] =	wrdreg s11;
	(pc) =	sbr.rel .LBB2_1-.Ltmp0, $4  }
0x19: {  	s4 =	sadd.s32 s13, s12;
	[dreg:$0x6] =	wrdreg s1;
	s12 =	sadd.s32 $0x1B000, s20  }
0x1a: {  	s5 =	simm.s32 $0x3;
	s13 =	sshrl.u32 s9, $0x3;
	[dreg:$0x9] =	wrdreg s12  }
0x1b: {  	s1 =	simm.s32 $0x17B80;
	s10 =	sadd.s32 $0x8000, s4;
	[dreg:$0xa] =	wrdreg s13  }
0x1c: {  	s9 =	simm.s32 $0x0;
	s4 =	simm.s32 $0x2;
	[dreg:$0x7] =	wrdreg s10  }
.LBB2_20:
0x1d: {  	_ =	swait.ge [sflag:s7], $0x4000  }
0x1e: {  	[sflag:s7] =	ssyncset.done $0x0  }
0x1f: {  	s10 =	simm.s32 @!p1 $0x80;
	s11 =	simm.s32 @!p1 $0x17B80;
	[sflag:s7] =	ssyncadd.s32 $0xFFFFC000  }
0x20: {  	[tilespmem:s11], [sflag:$0x1] =	stream.indirect.gather @!p1 [spmem:s2], $0x80, s19, s10, $0xb8;
	[tilespmem:$0x1FB80] =	vst v63  }
0x21: {  	s10 =	simm.s32 @!p1 $0x1  }
0x22: {  	_ =	swait.ge @!p1 [sflag:s10], $0x4000  }
0x23: {  	s9 =	sadd.s32 $0x1, s9;
	[sflag:s10] =	ssyncset.done @!p1 $0x0  }
0x24: {  	p2 =	sne.s32 s9, s24;
	[sflag:s10] =	ssyncadd.s32 @!p1 $0xFFFFC000;
	s10 =	simm.s32 @!p1 $0x0  }
0x25: {  	[hbm4b:s21+s10] =	stream.linear.scatter @!p1 [tilespmem:s11], [sflag:$0x6], $0x4000, $0x38;
	[tilespmem:$0x1FB80] =	vst v63  }
.Ltmp1:
0x26: {  	_ = 	snop;
	(pc) =	sbr.rel @!p2 .LBB2_21-.Ltmp1, $4  }
0x27: {  	s10 =	simm.s32 @!p1 $0x6  }
0x28: {  	_ =	swait.ge @!p1 [sflag:s10], $0x4000  }
0x29: {  	[sflag:s10] =	ssyncset.done @!p1 $0x0  }
0x2a: {  	[sflag:s10] =	ssyncadd.s32 @!p1 $0xFFFFC000  }
.LBB2_1:
0x2b: {  	[dreg:$0xc] =	wrdreg s9  }
0x2c: {  	s10 =	simm.s32 $0x13880;
	s11 =	rddreg [dreg:$0xa];
	s12 =	simm.s32 $0x6  }
0x2d: {  	[tilespmem:s10], [sflag:$0x5] =	stream.linear.gather [hbm4b:s14+s3], $0x1A00, $0x38;
	[tilespmem:$0x1FB80] =	vst v63  }
0x2e: {  	[spmem:s11], [sflag:s6] =	dma.local [hbm:s15], $0x2700  }
0x2f: {  	_ =	swait.ge [sflag:s12], $0x2700  }
0x30: {  	[sflag:s12] =	ssyncset.done $0x0  }
0x31: {  	s10 =	simm.s32 @!p0 $0x6;
	[sflag:s12] =	ssyncadd.s32 $0xFFFFD900  }
0x32: {  	[spmem:s25], [sflag:s6] =	dma.local @!p0 [hbm:s16], $0x100  }
0x33: {  	_ =	swait.ge @!p0 [sflag:s10], $0x100  }
0x34: {  	[sflag:s10] =	ssyncset.done @!p0 $0x0  }
0x35: {  	s13 =	simm.s32 $0x5;
	[sflag:s10] =	ssyncadd.s32 @!p0 $0xFFFFFF00  }
0x36: {  	_ =	swait.ge [sflag:s13], $0x1A00  }
0x37: {  	[sflag:s13] =	ssyncset.done $0x0  }
0x38: {  	s10 =	simm.s32 $0x138C0;
	[sflag:s13] =	ssyncadd.s32 $0xFFFFE600  }
0x39: {  	s11 =	simm.s32 $0x200;
	s12 =	simm.s32 $0x0;
	v0 =	vld [tilespmem:s10+$0xFFFFFFC0]  }
.LBB2_2:
0x3a: {  	p2 =	sne.s32 s11, $0x3200;
	_ =	sdelay $0x2  }
0x3b: {  	s13 =	sshra.s32 s12, $0x2;
	s12 =	smov.u32 s11  }
0x3c: {  	[tilespmem:s13+$0x15280] =	vst v0  }
0x3d: {  	v0 =	vld [tilespmem:s10+$0xFFFFFFD0];
	_ =	sdelay $0x4  }
0x3e: {  	[tilespmem:s13+$0x15290] =	vst v0  }
0x3f: {  	v0 =	vld [tilespmem:s10+$0xFFFFFFE0];
	_ =	sdelay $0x4  }
0x40: {  	[tilespmem:s13+$0x152A0] =	vst v0  }
0x41: {  	v0 =	vld [tilespmem:s10+$0xFFFFFFF0];
	_ =	sdelay $0x4  }
0x42: {  	[tilespmem:s13+$0x152B0] =	vst v0  }
0x43: {  	v0 =	vld [tilespmem:s10+$0x0];
	_ =	sdelay $0x4  }
0x44: {  	[tilespmem:s13+$0x152C0] =	vst v0  }
0x45: {  	v0 =	vld [tilespmem:s10+$0x10];
	_ =	sdelay $0x4  }
0x46: {  	[tilespmem:s13+$0x152D0] =	vst v0  }
0x47: {  	v0 =	vld [tilespmem:s10+$0x20];
	_ =	sdelay $0x4  }
0x48: {  	[tilespmem:s13+$0x152E0] =	vst v0  }
0x49: {  	v0 =	vld [tilespmem:s10+$0x30];
	_ =	sdelay $0x1  }
.Ltmp2:
0x4a: {  	(pc) =	sbr.rel @p2 .LBB2_2-.Ltmp2, $3  }
0x4b: {  	_ =	sdelay $0x1  }
0x4c: {  	s10 =	sadd.s32 $0x100, s10;
	[tilespmem:s13+$0x152F0] =	vst v0  }
0x4d: {  	s11 =	sadd.s32 $0x200, s11;
	v0 =	vld [tilespmem:s10+$0xFFFFFFC0]  }
0x4e: {  	_ =	sdelay $0x2  }
0x4f: {  	s11 =	sshra.s32 s12, $0x2  }
0x50: {  	[tilespmem:s11+$0x15280] =	vst v0  }
0x51: {  	v0 =	vld [tilespmem:s10+$0xFFFFFFD0];
	_ =	sdelay $0x4  }
0x52: {  	[tilespmem:s11+$0x15290] =	vst v0  }
0x53: {  	v0 =	vld [tilespmem:s10+$0xFFFFFFE0];
	_ =	sdelay $0x4  }
0x54: {  	[tilespmem:s11+$0x152A0] =	vst v0  }
0x55: {  	v0 =	vld [tilespmem:s10+$0xFFFFFFF0];
	_ =	sdelay $0x4  }
0x56: {  	[tilespmem:s11+$0x152B0] =	vst v0  }
0x57: {  	v0 =	vld [tilespmem:s10+$0x0];
	_ =	sdelay $0x4  }
0x58: {  	[tilespmem:s11+$0x152C0] =	vst v0  }
0x59: {  	v0 =	vld [tilespmem:s10+$0x10];
	_ =	sdelay $0x4  }
0x5a: {  	[tilespmem:s11+$0x152D0] =	vst v0  }
0x5b: {  	v0 =	vld [tilespmem:s10+$0x20];
	_ =	sdelay $0x4  }
0x5c: {  	[tilespmem:s11+$0x152E0] =	vst v0  }
0x5d: {  	v0 =	vld [tilespmem:s10+$0x30]  }
.Ltmp3:
0x5e: {  	_ = 	snop;
	(pc) =	sbr.rel @p1 .LBB2_7-.Ltmp3, $2  }
0x5f: {  	_ =	sdelay $0x2  }
0x60: {  	[tilespmem:s11+$0x152F0] =	vst v0  }
0x61: {  	s9 =	smov.u32 s29  }
0x62: {  	s29 =	smov.u32 s6;
	s6 =	smov.u32 s26;
	s26 =	smov.u32 s28  }
0x63: {  	s28 =	smov.u32 s23;
	s23 =	smov.u32 s22;
	s22 =	smov.u32 s24  }
0x64: {  	s25 =	smov.u32 s21;
	s21 =	smov.u32 s19;
	s24 =	smov.u32 s18  }
0x65: {  	s19 =	smov.u32 s17;
	s18 =	smov.u32 s16;
	s10 =	simm.s32 $0x0  }
0x66: {  	s11 =	rddreg [dreg:$0x5];
	s12 =	simm.s32 $0x13880;
	s13 =	simm.s32 $0x5  }
0x67: {  	[tilespmem:s12], [sflag:$0x5] =	stream.linear.gather [hbm4b:s11+s10], $0x400, $0x38;
	[tilespmem:$0x1FB80] =	vst v63  }
0x68: {  	s17 =	smov.u32 s15;
	s16 =	smov.u32 s14;
	_ =	swait.ge [sflag:s13], $0x400  }
0x69: {  	s14 =	sand.u32 $0x70, s10;
	s15 =	sand.u32 $0x300, s10;
	[sflag:s13] =	ssyncset.done $0x0  }
0x6a: {  	s12 =	sor.u32 s14, s15;
	[sflag:s13] =	ssyncadd.s32 $0xFFFFFC00  }
0x6b: {  	s11 =	simm.s32 $0x10;
	v0 =	vld [tilespmem:s12+$0x13880];
	s12 =	simm.s32 $0x0  }
.LBB2_5:
0x6c: {  	p2 =	sne.s32 s11, $0x1F0  }
.Ltmp4:
0x6d: {  	_ = 	snop;
	(pc) =	sbr.rel @p2 .LBB2_5-.Ltmp4, $4  }
0x6e: {  	s12 =	sadd.s32 $0x20, s12  }
0x6f: {  	s13 =	sand.u32 $0x70, s11;
	s14 =	sand.u32 $0x1F0, s10;
	s15 =	sand.u32 $0x300, s12  }
0x70: {  	s13 =	sor.u32 s13, s15;
	[tilespmem:s14+$0x17980] =	vst v0  }
0x71: {  	s10 =	smov.u32 s11;
	s11 =	sadd.s32 $0x10, s11;
	v0 =	vld [tilespmem:s13+$0x13880]  }
0x72: {  	s10 =	sand.u32 $0x1F0, s10  }
0x73: {  	s14 =	smov.u32 s16;
	s15 =	smov.u32 s17;
	s16 =	smov.u32 s18  }
0x74: {  	s17 =	smov.u32 s19;
	s18 =	smov.u32 s24;
	s19 =	smov.u32 s21  }
0x75: {  	s21 =	smov.u32 s25;
	s24 =	smov.u32 s22;
	s22 =	smov.u32 s23  }
0x76: {  	s23 =	smov.u32 s28;
	s28 =	smov.u32 s26;
	s26 =	smov.u32 s6  }
0x77: {  	s6 =	smov.u32 s29;
	s29 =	smov.u32 s9;
	s25 =	rddreg [dreg:$0xb];
	[tilespmem:s10+$0x17980] =	vst v0  }
.LBB2_7:
0x78: {  	[bflag:$0x0] =	sbarrier.arrive $0xFFFF;
	s9 =	simm.s32 $0x13880  }
0x79: {  	[tilespmem:s9], [sflag:$0x5] =	stream.linear.gather [hbm4b:s17+s3], $0x1A00, $0x38;
	[tilespmem:$0x1FB80] =	vst v63  }
0x7a: {  	s11 =	simm.s32 $0x15280  }
0x7b: {  	[tilespmem:s1], [sflag:$0x1] =	stream.indirect.gather [spmem:s2], $0x80, s11, s30, $0xb8;
	[tilespmem:$0x1FB80] =	vst v63  }
0x7c: {  	_ =	swait.ge [sflag:s8], $0x4000  }
0x7d: {  	[sflag:s8] =	ssyncset.done $0x0  }
0x7e: {  	[sflag:s8] =	ssyncadd.s32 $0xFFFFC000  }
0x7f: {  	[hbm4b:s22+s3] =	stream.linear.scatter [tilespmem:s1], [sflag:$0x3], $0x4000, $0x38;
	[tilespmem:$0x1FB80] =	vst v63  }
0x80: {  	s12 =	simm.s32 $0x15300  }
0x81: {  	[tilespmem:s31], [sflag:$0x2] =	stream.indirect.gather [spmem:s2], $0x80, s12, s30, $0xb8;
	[tilespmem:$0x1FB80] =	vst v63  }
0x82: {  	_ =	swait.ge [sflag:s4], $0x4000  }
0x83: {  	[sflag:s4] =	ssyncset.done $0x0  }
0x84: {  	[sflag:s4] =	ssyncadd.s32 $0xFFFFC000  }
0x85: {  	[hbm4b:s23+s3] =	stream.linear.scatter [tilespmem:s31], [sflag:$0x4], $0x4000, $0x38;
	[tilespmem:$0x1FB80] =	vst v63  }
0x86: {  	_ =	swait.ge [sflag:s5], $0x4000  }
0x87: {  	s13 =	simm.s32 $0x15380;
	s10 =	simm.s32 $0x15480;
	[sflag:s5] =	ssyncset.done $0x0  }
0x88: {  	s11 =	simm.s32 $0x1800;
	s12 =	rddreg [dreg:$0x7];
	[sflag:s5] =	ssyncadd.s32 $0xFFFFC000  }
0x89: {  	[tilespmem:s1], [sflag:$0x1] =	stream.indirect.gather [spmem:s2], $0x80, s13, s30, $0xb8;
	[tilespmem:$0x1FB80] =	vst v63  }
.LBB2_8:
0x8a: {  	_ =	swait.ge [sflag:s8], $0x4000  }
0x8b: {  	s13 =	sshrl.u32 s12, $0x3;
	[sflag:s8] =	ssyncset.done $0x0  }
0x8c: {  	s13 =	sadd.s32 s0, s13;
	[sflag:s8] =	ssyncadd.s32 $0xFFFFC000  }
0x8d: {  	[hbm4b:s13+s3] =	stream.linear.scatter [tilespmem:s1], [sflag:$0x3], $0x4000, $0x38;
	[tilespmem:$0x1FB80] =	vst v63  }
0x8e: {  	_ =	swait.ge [sflag:s7], $0x4000  }
0x8f: {  	[sflag:s7] =	ssyncset.done $0x0  }
0x90: {  	s9 =	sadd.s32 $0xFFFFFF80, s10;
	[sflag:s7] =	ssyncadd.s32 $0xFFFFC000  }
0x91: {  	[tilespmem:s31], [sflag:$0x2] =	stream.indirect.gather [spmem:s2], $0x80, s9, s30, $0xb8;
	[tilespmem:$0x1FB80] =	vst v63  }
0x92: {  	_ =	swait.ge [sflag:s4], $0x4000  }
0x93: {  	p2 =	seq.s32 s11, $0xC800;
	[sflag:s4] =	ssyncset.done $0x0  }
.Ltmp5:
0x94: {  	s9 =	sadd.s32 s11, s20;
	[sflag:s4] =	ssyncadd.s32 $0xFFFFC000;
	(pc) =	sbr.rel @p2 .LBB2_10-.Ltmp5, $4  }
0x95: {  	[hbm4b:s9+s3] =	stream.linear.scatter [tilespmem:s31], [sflag:$0x4], $0x4000, $0x38;
	[tilespmem:$0x1FB80] =	vst v63  }
0x96: {  	_ =	swait.ge [sflag:s5], $0x4000  }
0x97: {  	[sflag:s5] =	ssyncset.done $0x0  }
0x98: {  	[sflag:s5] =	ssyncadd.s32 $0xFFFFC000  }
.Ltmp6:
0x99: {  	(pc) =	sbr.rel .LBB2_8-.Ltmp6, $3  }
0x9a: {  	_ =	sdelay $0x1  }
0x9b: {  	[tilespmem:s1], [sflag:$0x1] =	stream.indirect.gather [spmem:s2], $0x80, s10, s30, $0xb8;
	[tilespmem:$0x1FB80] =	vst v63  }
0x9c: {  	s10 =	sadd.s32 $0x100, s10;
	s12 =	sadd.s32 $0x8000, s12;
	s11 =	sadd.s32 $0x1000, s11  }
.LBB2_10:
0x9d: {  	s9 =	simm.s32 $0x5  }
0x9e: {  	_ =	swait.ge [sflag:s9], $0x1A00  }
0x9f: {  	[sflag:s9] =	ssyncset.done $0x0  }
0xa0: {  	s11 =	simm.s32 $0x0;
	[sflag:s9] =	ssyncadd.s32 $0xFFFFE600  }
0xa1: {  	v0 =	vld [tilespmem:s11+$0x13880];
	_ =	sdelay $0x3  }
0xa2: {  	s10 =	simm.s32 $0x15FF0  }
0xa3: {  	[tilespmem:s10+$0xFFFFFF90] =	vst v0  }
0xa4: {  	v0 =	vld [tilespmem:s11+$0x13890];
	_ =	sdelay $0x4  }
0xa5: {  	[tilespmem:s10+$0xFFFFFFA0] =	vst v0  }
0xa6: {  	v0 =	vld [tilespmem:s11+$0x138A0];
	_ =	sdelay $0x4  }
0xa7: {  	[tilespmem:s10+$0xFFFFFFB0] =	vst v0  }
0xa8: {  	v0 =	vld [tilespmem:s11+$0x138B0];
	_ =	sdelay $0x4  }
0xa9: {  	[tilespmem:s10+$0xFFFFFFC0] =	vst v0  }
0xaa: {  	v0 =	vld [tilespmem:s11+$0x138C0];
	_ =	sdelay $0x4  }
0xab: {  	[tilespmem:s10+$0xFFFFFFD0] =	vst v0  }
0xac: {  	v0 =	vld [tilespmem:s11+$0x138D0];
	_ =	sdelay $0x4  }
0xad: {  	[tilespmem:s10+$0xFFFFFFE0] =	vst v0  }
0xae: {  	v0 =	vld [tilespmem:s11+$0x138E0];
	_ =	sdelay $0x4  }
0xaf: {  	[tilespmem:s10+$0xFFFFFFF0] =	vst v0  }
0xb0: {  	v0 =	vld [tilespmem:s11+$0x138F0];
	_ =	sdelay $0x4  }
0xb1: {  	s12 =	simm.s32 $0x800;
	s11 =	simm.s32 $0x100;
	[tilespmem:s10+$0x0] =	vst v0  }
.LBB2_11:
0xb2: {  	p2 =	sne.s32 s12, $0x6400;
	v0 =	vld [tilespmem:s11+$0x13880];
	_ =	sdelay $0x3  }
0xb3: {  	s10 =	sadd.s32 $0x80, s10  }
0xb4: {  	[tilespmem:s10+$0xFFFFFF90] =	vst v0  }
0xb5: {  	v0 =	vld [tilespmem:s11+$0x13890];
	_ =	sdelay $0x4  }
0xb6: {  	[tilespmem:s10+$0xFFFFFFA0] =	vst v0  }
0xb7: {  	v0 =	vld [tilespmem:s11+$0x138A0];
	_ =	sdelay $0x4  }
0xb8: {  	[tilespmem:s10+$0xFFFFFFB0] =	vst v0  }
0xb9: {  	v0 =	vld [tilespmem:s11+$0x138B0];
	_ =	sdelay $0x4  }
0xba: {  	[tilespmem:s10+$0xFFFFFFC0] =	vst v0  }
0xbb: {  	v0 =	vld [tilespmem:s11+$0x138C0];
	_ =	sdelay $0x4  }
0xbc: {  	[tilespmem:s10+$0xFFFFFFD0] =	vst v0  }
0xbd: {  	v0 =	vld [tilespmem:s11+$0x138D0];
	_ =	sdelay $0x4  }
0xbe: {  	[tilespmem:s10+$0xFFFFFFE0] =	vst v0  }
0xbf: {  	v0 =	vld [tilespmem:s11+$0x138E0];
	_ =	sdelay $0x4  }
0xc0: {  	[tilespmem:s10+$0xFFFFFFF0] =	vst v0  }
0xc1: {  	v0 =	vld [tilespmem:s11+$0x138F0]  }
.Ltmp7:
0xc2: {  	(pc) =	sbr.rel @p2 .LBB2_11-.Ltmp7, $2  }
0xc3: {  	_ =	sdelay $0x2  }
0xc4: {  	s11 =	sshra.s32 s12, $0x2;
	s12 =	sadd.s32 $0x400, s12;
	[tilespmem:s10+$0x0] =	vst v0  }
0xc5: {  	v0 =	vld [tilespmem:s11+$0x13880];
	_ =	sdelay $0x3  }
0xc6: {  	s10 =	sadd.s32 $0x80, s10  }
0xc7: {  	[tilespmem:s10+$0xFFFFFF90] =	vst v0  }
0xc8: {  	v0 =	vld [tilespmem:s11+$0x13890];
	_ =	sdelay $0x4  }
0xc9: {  	[tilespmem:s10+$0xFFFFFFA0] =	vst v0  }
0xca: {  	v0 =	vld [tilespmem:s11+$0x138A0];
	_ =	sdelay $0x4  }
0xcb: {  	[tilespmem:s10+$0xFFFFFFB0] =	vst v0  }
0xcc: {  	v0 =	vld [tilespmem:s11+$0x138B0];
	_ =	sdelay $0x4  }
0xcd: {  	[tilespmem:s10+$0xFFFFFFC0] =	vst v0  }
0xce: {  	v0 =	vld [tilespmem:s11+$0x138C0];
	_ =	sdelay $0x4  }
0xcf: {  	[tilespmem:s10+$0xFFFFFFD0] =	vst v0  }
0xd0: {  	v0 =	vld [tilespmem:s11+$0x138D0];
	_ =	sdelay $0x4  }
0xd1: {  	[tilespmem:s10+$0xFFFFFFE0] =	vst v0  }
0xd2: {  	v0 =	vld [tilespmem:s11+$0x138E0];
	_ =	sdelay $0x4  }
0xd3: {  	[tilespmem:s10+$0xFFFFFFF0] =	vst v0  }
0xd4: {  	v0 =	vld [tilespmem:s11+$0x138F0];
	_ =	sdelay $0x4  }
0xd5: {  	s9 =	simm.s32 $0x13880;
	[tilespmem:s10+$0x0] =	vst v0;
	s10 =	simm.s32 $0x0  }
0xd6: {  	[tilespmem:s9], [sflag:$0x5] =	stream.linear.gather [hbm4b:s18+s10], $0x1A00, $0x38;
	[tilespmem:$0x1FB80] =	vst v63  }
0xd7: {  	s11 =	simm.s32 $0x15F80  }
0xd8: {  	[tilespmem:s1], [sflag:$0x1] =	stream.indirect.gather [spmem:s2], $0x80, s11, s30, $0xb8;
	[tilespmem:$0x1FB80] =	vst v63  }
0xd9: {  	_ =	swait.ge [sflag:s7], $0x4000  }
0xda: {  	[sflag:s7] =	ssyncset.done $0x0  }
0xdb: {  	[sflag:s7] =	ssyncadd.s32 $0xFFFFC000  }
0xdc: {  	_ =	swait.ge [sflag:s8], $0x4000  }
0xdd: {  	[sflag:s8] =	ssyncset.done $0x0  }
0xde: {  	[sflag:s8] =	ssyncadd.s32 $0xFFFFC000  }
0xdf: {  	[hbm4b:s28+s10] =	stream.linear.scatter [tilespmem:s1], [sflag:$0x3], $0x4000, $0x38;
	[tilespmem:$0x1FB80] =	vst v63  }
0xe0: {  	s12 =	simm.s32 $0x16000  }
0xe1: {  	[tilespmem:s31], [sflag:$0x2] =	stream.indirect.gather [spmem:s2], $0x80, s12, s30, $0xb8;
	[tilespmem:$0x1FB80] =	vst v63  }
0xe2: {  	_ =	swait.ge [sflag:s4], $0x4000  }
0xe3: {  	[sflag:s4] =	ssyncset.done $0x0  }
0xe4: {  	[sflag:s4] =	ssyncadd.s32 $0xFFFFC000  }
0xe5: {  	[hbm4b:s26+s10] =	stream.linear.scatter [tilespmem:s31], [sflag:$0x4], $0x4000, $0x38;
	[tilespmem:$0x1FB80] =	vst v63  }
0xe6: {  	_ =	swait.ge [sflag:s5], $0x4000  }
0xe7: {  	[sflag:s5] =	ssyncset.done $0x0  }
0xe8: {  	s13 =	simm.s32 $0x16080;
	s11 =	rddreg [dreg:$0x8];
	[sflag:s5] =	ssyncadd.s32 $0xFFFFC000  }
0xe9: {  	[tilespmem:s1], [sflag:$0x1] =	stream.indirect.gather [spmem:s2], $0x80, s13, s30, $0xb8;
	[tilespmem:$0x1FB80] =	vst v63  }
.LBB2_13:
0xea: {  	_ =	swait.ge [sflag:s8], $0x4000  }
0xeb: {  	[sflag:s8] =	ssyncset.done $0x0  }
0xec: {  	[sflag:s8] =	ssyncadd.s32 $0xFFFFC000  }
0xed: {  	[hbm4b:s11+s3] =	stream.linear.scatter [tilespmem:s1], [sflag:$0x3], $0x4000, $0x38;
	[tilespmem:$0x1FB80] =	vst v63  }
0xee: {  	_ =	swait.ge [sflag:s7], $0x4000  }
0xef: {  	s12 =	sshra.s32 s10, $0x2;
	[sflag:s7] =	ssyncset.done $0x0  }
0xf0: {  	s13 =	sadd.s32 $0x16100, s12;
	[sflag:s7] =	ssyncadd.s32 $0xFFFFC000  }
0xf1: {  	[tilespmem:s31], [sflag:$0x2] =	stream.indirect.gather [spmem:s2], $0x80, s13, s30, $0xb8;
	[tilespmem:$0x1FB80] =	vst v63  }
0xf2: {  	_ =	swait.ge [sflag:s4], $0x4000  }
0xf3: {  	p2 =	seq.s32 s10, $0x2C00;
	[sflag:s4] =	ssyncset.done $0x0  }
.Ltmp8:
0xf4: {  	s9 =	sadd.s32 $0x800, s11;
	[sflag:s4] =	ssyncadd.s32 $0xFFFFC000;
	(pc) =	sbr.rel @p2 .LBB2_15-.Ltmp8, $4  }
0xf5: {  	[hbm4b:s9+s3] =	stream.linear.scatter [tilespmem:s31], [sflag:$0x4], $0x4000, $0x38;
	[tilespmem:$0x1FB80] =	vst v63  }
0xf6: {  	_ =	swait.ge [sflag:s5], $0x4000  }
0xf7: {  	[sflag:s5] =	ssyncset.done $0x0  }
0xf8: {  	[sflag:s5] =	ssyncadd.s32 $0xFFFFC000  }
.Ltmp9:
0xf9: {  	(pc) =	sbr.rel .LBB2_13-.Ltmp9, $3  }
0xfa: {  	_ =	sdelay $0x1  }
0xfb: {  	s12 =	sadd.s32 $0x16180, s12;
	s10 =	sadd.s32 $0x400, s10;
	s11 =	sadd.s32 $0x1000, s11  }
0xfc: {  	[tilespmem:s1], [sflag:$0x1] =	stream.indirect.gather [spmem:s2], $0x80, s12, s30, $0xb8;
	[tilespmem:$0x1FB80] =	vst v63  }
.LBB2_15:
0xfd: {  	s9 =	simm.s32 $0x5  }
0xfe: {  	_ =	swait.ge [sflag:s9], $0x1A00  }
0xff: {  	[sflag:s9] =	ssyncset.done $0x0  }
0x100: {  	s11 =	simm.s32 $0x0;
	[sflag:s9] =	ssyncadd.s32 $0xFFFFE600  }
0x101: {  	v0 =	vld [tilespmem:s11+$0x13880];
	_ =	sdelay $0x3  }
0x102: {  	s10 =	simm.s32 $0x16CF0  }
0x103: {  	[tilespmem:s10+$0xFFFFFF90] =	vst v0  }
0x104: {  	v0 =	vld [tilespmem:s11+$0x13890];
	_ =	sdelay $0x4  }
0x105: {  	[tilespmem:s10+$0xFFFFFFA0] =	vst v0  }
0x106: {  	v0 =	vld [tilespmem:s11+$0x138A0];
	_ =	sdelay $0x4  }
0x107: {  	[tilespmem:s10+$0xFFFFFFB0] =	vst v0  }
0x108: {  	v0 =	vld [tilespmem:s11+$0x138B0];
	_ =	sdelay $0x4  }
0x109: {  	[tilespmem:s10+$0xFFFFFFC0] =	vst v0  }
0x10a: {  	v0 =	vld [tilespmem:s11+$0x138C0];
	_ =	sdelay $0x4  }
0x10b: {  	[tilespmem:s10+$0xFFFFFFD0] =	vst v0  }
0x10c: {  	v0 =	vld [tilespmem:s11+$0x138D0];
	_ =	sdelay $0x4  }
0x10d: {  	[tilespmem:s10+$0xFFFFFFE0] =	vst v0  }
0x10e: {  	v0 =	vld [tilespmem:s11+$0x138E0];
	_ =	sdelay $0x4  }
0x10f: {  	[tilespmem:s10+$0xFFFFFFF0] =	vst v0  }
0x110: {  	v0 =	vld [tilespmem:s11+$0x138F0];
	_ =	sdelay $0x4  }
0x111: {  	s12 =	simm.s32 $0x800;
	s11 =	simm.s32 $0x100;
	[tilespmem:s10+$0x0] =	vst v0  }
.LBB2_16:
0x112: {  	p2 =	sne.s32 s12, $0x6400;
	v0 =	vld [tilespmem:s11+$0x13880];
	_ =	sdelay $0x3  }
0x113: {  	s10 =	sadd.s32 $0x80, s10  }
0x114: {  	[tilespmem:s10+$0xFFFFFF90] =	vst v0  }
0x115: {  	v0 =	vld [tilespmem:s11+$0x13890];
	_ =	sdelay $0x4  }
0x116: {  	[tilespmem:s10+$0xFFFFFFA0] =	vst v0  }
0x117: {  	v0 =	vld [tilespmem:s11+$0x138A0];
	_ =	sdelay $0x4  }
0x118: {  	[tilespmem:s10+$0xFFFFFFB0] =	vst v0  }
0x119: {  	v0 =	vld [tilespmem:s11+$0x138B0];
	_ =	sdelay $0x4  }
0x11a: {  	[tilespmem:s10+$0xFFFFFFC0] =	vst v0  }
0x11b: {  	v0 =	vld [tilespmem:s11+$0x138C0];
	_ =	sdelay $0x4  }
0x11c: {  	[tilespmem:s10+$0xFFFFFFD0] =	vst v0  }
0x11d: {  	v0 =	vld [tilespmem:s11+$0x138D0];
	_ =	sdelay $0x4  }
0x11e: {  	[tilespmem:s10+$0xFFFFFFE0] =	vst v0  }
0x11f: {  	v0 =	vld [tilespmem:s11+$0x138E0];
	_ =	sdelay $0x4  }
0x120: {  	[tilespmem:s10+$0xFFFFFFF0] =	vst v0  }
0x121: {  	v0 =	vld [tilespmem:s11+$0x138F0]  }
.Ltmp10:
0x122: {  	(pc) =	sbr.rel @p2 .LBB2_16-.Ltmp10, $2  }
0x123: {  	_ =	sdelay $0x2  }
0x124: {  	s11 =	sshra.s32 s12, $0x2;
	s12 =	sadd.s32 $0x400, s12;
	[tilespmem:s10+$0x0] =	vst v0  }
0x125: {  	v0 =	vld [tilespmem:s11+$0x13880];
	_ =	sdelay $0x3  }
0x126: {  	s10 =	sadd.s32 $0x80, s10  }
0x127: {  	[tilespmem:s10+$0xFFFFFF90] =	vst v0  }
0x128: {  	v0 =	vld [tilespmem:s11+$0x13890];
	_ =	sdelay $0x4  }
0x129: {  	[tilespmem:s10+$0xFFFFFFA0] =	vst v0  }
0x12a: {  	v0 =	vld [tilespmem:s11+$0x138A0];
	_ =	sdelay $0x4  }
0x12b: {  	[tilespmem:s10+$0xFFFFFFB0] =	vst v0  }
0x12c: {  	v0 =	vld [tilespmem:s11+$0x138B0];
	_ =	sdelay $0x4  }
0x12d: {  	[tilespmem:s10+$0xFFFFFFC0] =	vst v0  }
0x12e: {  	v0 =	vld [tilespmem:s11+$0x138C0];
	_ =	sdelay $0x4  }
0x12f: {  	[tilespmem:s10+$0xFFFFFFD0] =	vst v0  }
0x130: {  	v0 =	vld [tilespmem:s11+$0x138D0];
	_ =	sdelay $0x4  }
0x131: {  	[tilespmem:s10+$0xFFFFFFE0] =	vst v0  }
0x132: {  	v0 =	vld [tilespmem:s11+$0x138E0];
	_ =	sdelay $0x4  }
0x133: {  	[tilespmem:s10+$0xFFFFFFF0] =	vst v0  }
0x134: {  	v0 =	vld [tilespmem:s11+$0x138F0];
	_ =	sdelay $0x4  }
0x135: {  	s9 =	simm.s32 $0x16C80;
	[tilespmem:s10+$0x0] =	vst v0  }
0x136: {  	[tilespmem:s1], [sflag:$0x1] =	stream.indirect.gather [spmem:s2], $0x80, s9, s30, $0xb8;
	[tilespmem:$0x1FB80] =	vst v63  }
0x137: {  	_ =	swait.ge [sflag:s7], $0x4000  }
0x138: {  	[sflag:s7] =	ssyncset.done $0x0  }
0x139: {  	[sflag:s7] =	ssyncadd.s32 $0xFFFFC000  }
0x13a: {  	_ =	swait.ge [sflag:s8], $0x4000  }
0x13b: {  	[sflag:s8] =	ssyncset.done $0x0  }
0x13c: {  	s10 =	simm.s32 $0x0;
	[sflag:s8] =	ssyncadd.s32 $0xFFFFC000  }
0x13d: {  	[hbm4b:s29+s10] =	stream.linear.scatter [tilespmem:s1], [sflag:$0x3], $0x4000, $0x38;
	[tilespmem:$0x1FB80] =	vst v63  }
0x13e: {  	s11 =	simm.s32 $0x16D00  }
0x13f: {  	[tilespmem:s31], [sflag:$0x2] =	stream.indirect.gather [spmem:s2], $0x80, s11, s30, $0xb8;
	[tilespmem:$0x1FB80] =	vst v63  }
0x140: {  	_ =	swait.ge [sflag:s4], $0x4000  }
0x141: {  	[sflag:s4] =	ssyncset.done $0x0  }
0x142: {  	s12 =	rddreg [dreg:$0x6];
	[sflag:s4] =	ssyncadd.s32 $0xFFFFC000  }
0x143: {  	[hbm4b:s12+s10] =	stream.linear.scatter [tilespmem:s31], [sflag:$0x4], $0x4000, $0x38;
	[tilespmem:$0x1FB80] =	vst v63  }
0x144: {  	_ =	swait.ge [sflag:s5], $0x4000  }
0x145: {  	[sflag:s5] =	ssyncset.done $0x0;
	s11 =	rddreg [dreg:$0x9]  }
0x146: {  	s13 =	simm.s32 $0x16D80;
	s9 =	rddreg [dreg:$0xc];
	[sflag:s5] =	ssyncadd.s32 $0xFFFFC000  }
0x147: {  	[tilespmem:s1], [sflag:$0x1] =	stream.indirect.gather [spmem:s2], $0x80, s13, s30, $0xb8;
	[tilespmem:$0x1FB80] =	vst v63  }
.LBB2_18:
0x148: {  	_ =	swait.ge [sflag:s8], $0x4000  }
0x149: {  	[sflag:s8] =	ssyncset.done $0x0  }
0x14a: {  	[sflag:s8] =	ssyncadd.s32 $0xFFFFC000  }
0x14b: {  	[hbm4b:s11+s3] =	stream.linear.scatter [tilespmem:s1], [sflag:$0x3], $0x4000, $0x38;
	[tilespmem:$0x1FB80] =	vst v63  }
0x14c: {  	_ =	swait.ge [sflag:s7], $0x4000  }
0x14d: {  	s12 =	sshra.s32 s10, $0x2;
	[sflag:s7] =	ssyncset.done $0x0  }
0x14e: {  	s13 =	sadd.s32 $0x16E00, s12;
	[sflag:s7] =	ssyncadd.s32 $0xFFFFC000  }
0x14f: {  	[tilespmem:s31], [sflag:$0x2] =	stream.indirect.gather [spmem:s2], $0x80, s13, s30, $0xb8;
	[tilespmem:$0x1FB80] =	vst v63  }
0x150: {  	_ =	swait.ge [sflag:s4], $0x4000  }
0x151: {  	p2 =	seq.s32 s10, $0x2C00;
	[sflag:s4] =	ssyncset.done $0x0  }
.Ltmp11:
0x152: {  	s13 =	sadd.s32 $0x800, s11;
	[sflag:s4] =	ssyncadd.s32 $0xFFFFC000;
	(pc) =	sbr.rel @p2 .LBB2_20-.Ltmp11, $4  }
0x153: {  	[hbm4b:s13+s3] =	stream.linear.scatter [tilespmem:s31], [sflag:$0x4], $0x4000, $0x38;
	[tilespmem:$0x1FB80] =	vst v63  }
0x154: {  	_ =	swait.ge [sflag:s5], $0x4000  }
0x155: {  	[sflag:s5] =	ssyncset.done $0x0  }
0x156: {  	[sflag:s5] =	ssyncadd.s32 $0xFFFFC000  }
.Ltmp12:
0x157: {  	(pc) =	sbr.rel .LBB2_18-.Ltmp12, $3  }
0x158: {  	_ =	sdelay $0x1  }
0x159: {  	s12 =	sadd.s32 $0x16E80, s12;
	s10 =	sadd.s32 $0x400, s10;
	s11 =	sadd.s32 $0x1000, s11  }
0x15a: {  	[tilespmem:s1], [sflag:$0x1] =	stream.indirect.gather [spmem:s2], $0x80, s12, s30, $0xb8;
	[tilespmem:$0x1FB80] =	vst v63  }
.LBB2_21:
0x15b: {  	_ =	sfence.sel $0x180000  }
0x15c: {  	[bflag:$0x0] =	sbarrier.arrive $0xFFFF  }
0x15d: {  	_ =	strace $0x90000047  }
0x15e: {  	[bflag:$0x2] =	sbarrier.arrive $0xFFFF  }
0x15f: {  	s0 =	rddreg [dreg:$0x4]  }
0x160: {  	s0 =	sadd.s32 @!p0 $0x100000, s0  }
0x161: {  	[sflag:s0] =	ssyncadd.tile.s32 @!p0 $0x1;
	_ =	shalt  }
.Lfunc_end2:
_tile_overlayer_lowered:
.L_overlay_start_2:
0x162: {  	(tag) =	ssettag $0x2  }
0x163: {  	s0 =	rddreg [dreg:$0x0];
	s2 =	stileid.u32  }
0x164: {  	s1 =	rddreg [dreg:$0x1];
	p0 =	sne.s32 s2, $0x0  }
0x165: {  	s3 =	rddreg [dreg:$0x2];
	[bflag:$0x3] =	sbarrier.arrive $0xFFFF;
	s2 =	simm.s32 @!p0 $0x1C06  }
0x166: {  	[timem:s3], [sflag:s2] =	dma.local @!p0 [hbm:s0], s1  }
0x167: {  	s0 =	simm.s32 @!p0 $0x6  }
0x168: {  	_ =	swait.ge @!p0 [sflag:s0], s1  }
0x169: {  	s1 =	ssub.s32 @!p0 $0x0, s1;
	[sflag:s0] =	ssyncset.done @!p0 $0x0  }
0x16a: {  	[sflag:s0] =	ssyncadd.s32 @!p0 s1  }
0x16b: {  	[bflag:$0x3] =	sbarrier.arrive $0xFFFF  }
0x16c: {  	_ =	shalt  }

</sc_bundles>
